<compile_context>
chip_gen: v7x
topology: tpu7x:2x2x1
jax: 0.10.2.dev20260603
libtpu: 0.0.44.dev20260713+nightly
codegen_flags: <defaults>
</compile_context>

<pallas_src>
import functools

import jax
import jax.numpy as jnp
from jax import lax
from jax.experimental import pallas as pl
from jax.experimental.pallas import tpu as pltpu
from jax.experimental.pallas import tpu_sc as plsc

_EMBED_DIM = 64
_NUM_CORES = 2
_NUM_SUBCORES = 16
_NUM_WORKERS = _NUM_CORES * _NUM_SUBCORES
_CHUNK = 128
_NBUF = 10
_LANE = 128
_SUB = 8


@functools.lru_cache(maxsize=None)
def _build_gather(n_chunk: int, n_class: int):
    mesh = plsc.VectorSubcoreMesh(core_axis_name="c", subcore_axis_name="s")
    assert n_chunk % _NBUF == 0

    @functools.partial(
        pl.kernel,
        out_type=jax.ShapeDtypeStruct(
            (_NUM_WORKERS, n_chunk, _CHUNK, _EMBED_DIM), jnp.float32
        ),
        mesh=mesh,
        compiler_params=pltpu.CompilerParams(use_tc_tiling_on_sc=False),
        scratch_types=[
            pltpu.VMEM((n_chunk, _CHUNK), jnp.int32),
            pltpu.VMEM((_NBUF, _CHUNK, _EMBED_DIM), jnp.float32),
            pltpu.SemaphoreType.DMA((_NBUF,)),
            pltpu.SemaphoreType.DMA((_NBUF,)),
        ],
    )
    def gather_kernel(idx_hbm, table_hbm, out_hbm, idx_v, rows_v, sem_in, sem_out):
        wid = lax.axis_index("s") * _NUM_CORES + lax.axis_index("c")
        pltpu.sync_copy(idx_hbm.at[wid], idx_v)
        for b in range(_NBUF):
            pltpu.async_copy(table_hbm.at[idx_v.at[b]], rows_v.at[b], sem_in.at[b])

        def body(g, carry):
            c_base = g * _NBUF
            for b in range(_NBUF):
                c = c_base + b
                pltpu.make_async_copy(
                    table_hbm.at[idx_v.at[c]], rows_v.at[b], sem_in.at[b]
                ).wait()
                pltpu.async_copy(rows_v.at[b], out_hbm.at[wid, c], sem_out.at[b])
            for b in range(_NBUF):
                c_next = c_base + _NBUF + b

                @pl.when(c_next < n_chunk)
                def _():
                    pltpu.make_async_copy(
                        rows_v.at[b], out_hbm.at[wid, c_base + b], sem_out.at[b]
                    ).wait()
                    pltpu.async_copy(
                        table_hbm.at[idx_v.at[c_next]], rows_v.at[b], sem_in.at[b]
                    )

            return carry

        lax.fori_loop(0, n_chunk // _NBUF, body, 0)
        for b in range(_NBUF):
            pltpu.make_async_copy(
                rows_v.at[b], out_hbm.at[wid, n_chunk - _NBUF + b], sem_out.at[b]
            ).wait()

    return gather_kernel


@functools.lru_cache(maxsize=None)
def _build_format(hist: int, batch: int):
    n_jb = batch // _LANE
    grp = 16
    assert n_jb % grp == 0
    row = _LANE * _EMBED_DIM

    n_b = n_jb // grp
    half = _LANE // 2

    def fmt_kernel(in_ref, out_ref):
        x = in_ref[...]
        x = x.reshape(grp, half, _LANE)
        t = jnp.transpose(x, (0, 2, 1))
        e = t[:, :_EMBED_DIM, :]
        o = t[:, _EMBED_DIM:, :]
        y = jnp.concatenate([e, o], axis=-1)
        y = y.reshape(grp, _SUB, _SUB, _LANE)
        out_ref[0] = jnp.transpose(y, (1, 0, 2, 3))

    return pl.pallas_call(
        fmt_kernel,
        grid=(hist, n_b),
        in_specs=[
            pl.BlockSpec((grp * half, _LANE), lambda h, b: (h * n_b + b, 0))
        ],
        out_specs=pl.BlockSpec(
            (1, _SUB, grp, _SUB, _LANE), lambda h, b: (h, 0, b, 0, 0)
        ),
        out_shape=jax.ShapeDtypeStruct(
            (hist, _SUB, n_jb, _SUB, _LANE), jnp.float32
        ),
    )


def kernel(X, weight):
    batch, hist = X.shape
    n_total = batch * hist
    idx = X.T.astype(jnp.int32).reshape(-1)
    idx = idx.reshape(-1, 2, _LANE // 2).swapaxes(1, 2).reshape(-1)
    block = _NUM_WORKERS * _CHUNK
    pad = (-n_total) % block
    if pad:
        idx = jnp.concatenate([idx, jnp.zeros((pad,), jnp.int32)])
    n_chunk = (n_total + pad) // block
    idx3 = idx.reshape(_NUM_WORKERS, n_chunk, _CHUNK)
    flat = _build_gather(n_chunk, weight.shape[0])(idx3, weight)
    f2 = flat.reshape(-1, _LANE)
    if pad:
        f2 = f2[: n_total * _EMBED_DIM // _LANE]
    out5 = _build_format(hist, batch)(f2)
    out = out5.transpose(2, 4, 0, 1, 3)
    return out.reshape(batch, hist, _EMBED_DIM)

# --- scband reference (transcript-rebuilt; emitter-appended) ---
"""Pipeline reference for scband-embedding-layer-39513699123655 (READ-ONLY COPY).

The authoritative reference and input builder live on the scoring server;
editing this copy changes nothing except your own understanding.
"""

import jax, jax.numpy as jnp
import numpy as np

N_CLASS = 1000000
EMBED_DIM = 64
BATCH = 16384
HIST = 50

def setup_inputs(seed: int = 0) -> dict:
    key = jax.random.key(seed)
    k_idx, k_w = jax.random.split(key)
    X = jax.random.randint(k_idx, (BATCH, HIST), 0, N_CLASS, dtype=jnp.int64)
    # nn.Embedding default init: N(0, 1)
    weight = jax.random.normal(k_w, (N_CLASS, EMBED_DIM), dtype=jnp.float32)
    return {"X": X, "weight": weight}

def reference(X, weight):
    # Faithful translation of nn.Embedding forward: gather rows of the table.
    return jnp.take(weight, X, axis=0)

if __name__ == "__main__":
    import jax
    _d = setup_inputs()
    print(jax.jit(kernel)(*tuple(_d.values())))

</pallas_src>

<mosaic_0001>
#map = affine_map<(d0, d1) -> (0, 0, 0)>
#map1 = affine_map<(d0, d1) -> (0, 0)>
#map2 = affine_map<(d0, d1) -> (0, 0, 0, 0)>
module attributes {stable_mosaic.version = 14 : i64} {
  func.func @gather_kernel(%arg0: i32, %arg1: i32, %arg2: memref<32x200x128xi32, #tpu.memory_space<hbm>>, %arg3: memref<1000000x64xf32, #tpu.memory_space<hbm>>, %arg4: memref<32x200x128x64xf32, #tpu.memory_space<hbm>>, %arg5: memref<200x128xi32, #tpu.memory_space<vmem>>, %arg6: memref<10x128x64xf32, #tpu.memory_space<vmem>>, %arg7: memref<10x!tpu.dma_semaphore, #tpu.memory_space<semaphore_mem>>, %arg8: memref<10x!tpu.dma_semaphore, #tpu.memory_space<semaphore_mem>>) attributes {dimension_semantics = [#tpu.dimension_semantics<core_parallel>, #tpu.dimension_semantics<subcore_parallel>], iteration_bounds = array<i64: 2, 16>, scalar_prefetch = 0 : i64, scratch_operands = 4 : i64, tpu.core_type = #tpu.core_type<sc_vector_subcore>, window_params = [{transform_indices = #map}, {transform_indices = #map1}, {transform_indices = #map2}]} {
    %mul3A = arith.constant 2 : i32
    %mul3A_0 = arith.muli %arg1, %mul3A : i32
    %add3A = arith.addi %mul3A_0, %arg0 : i32
    "tpu.region"() ({
      %run_scoped3A = tpu.sem_alloc : memref<!tpu.dma_semaphore, #tpu.memory_space<semaphore_mem>>
      %dma_start3A_364 = arith.constant 0 : i32
      %dma_start3A_365 = arith.constant 0 : i32
      %dma_start3A_366 = tpu.memref_slice %arg2[%add3A, %dma_start3A_364, %dma_start3A_365] : memref<32x200x128xi32, #tpu.memory_space<hbm>> -> memref<1x200x128xi32, #tpu.memory_space<hbm>>
      %dma_start3A_367 = tpu.memref_squeeze %dma_start3A_366 : memref<1x200x128xi32, #tpu.memory_space<hbm>> -> memref<200x128xi32, #tpu.memory_space<hbm>>
      %dma_start3A_368 = arith.constant 0 : i32
      %dma_start3A_369 = arith.constant 0 : i32
      %dma_start3A_370 = tpu.memref_slice %arg2[%add3A, %dma_start3A_368, %dma_start3A_369] : memref<32x200x128xi32, #tpu.memory_space<hbm>> -> memref<1x200x128xi32, #tpu.memory_space<hbm>>
      %dma_start3A_371 = tpu.memref_squeeze %dma_start3A_370 : memref<1x200x128xi32, #tpu.memory_space<hbm>> -> memref<200x128xi32, #tpu.memory_space<hbm>>
      tpu.enqueue_dma source(%dma_start3A_371 : memref<200x128xi32, #tpu.memory_space<hbm>>) target(%arg5 : memref<200x128xi32, #tpu.memory_space<vmem>>) target_semaphore(%run_scoped3A : memref<!tpu.dma_semaphore, #tpu.memory_space<semaphore_mem>>)
      %dma_wait3A_372 = arith.constant 0 : i32
      %dma_wait3A_373 = arith.constant 0 : i32
      %dma_wait3A_374 = tpu.memref_slice %arg2[%add3A, %dma_wait3A_372, %dma_wait3A_373] : memref<32x200x128xi32, #tpu.memory_space<hbm>> -> memref<1x200x128xi32, #tpu.memory_space<hbm>>
      %dma_wait3A_375 = tpu.memref_squeeze %dma_wait3A_374 : memref<1x200x128xi32, #tpu.memory_space<hbm>> -> memref<200x128xi32, #tpu.memory_space<hbm>>
      %dma_wait3A_376 = arith.constant 0 : i32
      %dma_wait3A_377 = arith.constant 0 : i32
      %dma_wait3A_378 = tpu.memref_slice %arg2[%add3A, %dma_wait3A_376, %dma_wait3A_377] : memref<32x200x128xi32, #tpu.memory_space<hbm>> -> memref<1x200x128xi32, #tpu.memory_space<hbm>>
      %dma_wait3A_379 = tpu.memref_squeeze %dma_wait3A_378 : memref<1x200x128xi32, #tpu.memory_space<hbm>> -> memref<200x128xi32, #tpu.memory_space<hbm>>
      tpu.wait_dma2 semaphore(%run_scoped3A : memref<!tpu.dma_semaphore, #tpu.memory_space<semaphore_mem>>) src(%dma_wait3A_379 : memref<200x128xi32, #tpu.memory_space<hbm>>) dst(%arg5 : memref<200x128xi32, #tpu.memory_space<vmem>>)
      tpu.yield
    }) : () -> ()
    %dma_start3A = arith.constant 0 : i32
    %dma_start3A_1 = arith.constant 0 : i32
    %dma_start3A_2 = arith.constant 0 : i32
    %dma_start3A_3 = arith.constant 0 : i32
    %dma_start3A_4 = arith.constant 0 : i32
    %dma_start3A_5 = tpu.memref_slice %arg6[%dma_start3A_1, %dma_start3A_3, %dma_start3A_4] : memref<10x128x64xf32, #tpu.memory_space<vmem>> -> memref<1x128x64xf32, #tpu.memory_space<vmem>>
    %dma_start3A_6 = tpu.memref_squeeze %dma_start3A_5 : memref<1x128x64xf32, #tpu.memory_space<vmem>> -> memref<128x64xf32, #tpu.memory_space<vmem>>
    %dma_start3A_7 = arith.constant 0 : i32
    %dma_start3A_8 = tpu.memref_slice %arg5[%dma_start3A, %dma_start3A_7] : memref<200x128xi32, #tpu.memory_space<vmem>> -> memref<1x128xi32, #tpu.memory_space<vmem>>
    %dma_start3A_9 = tpu.memref_squeeze %dma_start3A_8 : memref<1x128xi32, #tpu.memory_space<vmem>> -> memref<128xi32, #tpu.memory_space<vmem>>
    %dma_start3A_10 = arith.constant 0 : i32
    %dma_start3A_11 = arith.constant 0 : i32
    %dma_start3A_12 = tpu.memref_slice %arg3[%dma_start3A_10, %dma_start3A_11] : memref<1000000x64xf32, #tpu.memory_space<hbm>> -> memref<1000000x64xf32, #tpu.memory_space<hbm>>
    %dma_start3A_13 = tpu.memref_slice %arg7[%dma_start3A_2] : memref<10x!tpu.dma_semaphore, #tpu.memory_space<semaphore_mem>> -> memref<1x!tpu.dma_semaphore, #tpu.memory_space<semaphore_mem>>
    %dma_start3A_14 = tpu.memref_squeeze %dma_start3A_13 : memref<1x!tpu.dma_semaphore, #tpu.memory_space<semaphore_mem>> -> memref<!tpu.dma_semaphore, #tpu.memory_space<semaphore_mem>>
    tpu.enqueue_indirect_dma source(%dma_start3A_12 : memref<1000000x64xf32, #tpu.memory_space<hbm>>) target(%dma_start3A_6 : memref<128x64xf32, #tpu.memory_space<vmem>>) offsets(%dma_start3A_9 : memref<128xi32, #tpu.memory_space<vmem>>) semaphore(%dma_start3A_14 : memref<!tpu.dma_semaphore, #tpu.memory_space<semaphore_mem>>)
    %dma_start3A_15 = arith.constant 1 : i32
    %dma_start3A_16 = arith.constant 1 : i32
    %dma_start3A_17 = arith.constant 1 : i32
    %dma_start3A_18 = arith.constant 0 : i32
    %dma_start3A_19 = arith.constant 0 : i32
    %dma_start3A_20 = tpu.memref_slice %arg6[%dma_start3A_16, %dma_start3A_18, %dma_start3A_19] : memref<10x128x64xf32, #tpu.memory_space<vmem>> -> memref<1x128x64xf32, #tpu.memory_space<vmem>>
    %dma_start3A_21 = tpu.memref_squeeze %dma_start3A_20 : memref<1x128x64xf32, #tpu.memory_space<vmem>> -> memref<128x64xf32, #tpu.memory_space<vmem>>
    %dma_start3A_22 = arith.constant 0 : i32
    %dma_start3A_23 = tpu.memref_slice %arg5[%dma_start3A_15, %dma_start3A_22] : memref<200x128xi32, #tpu.memory_space<vmem>> -> memref<1x128xi32, #tpu.memory_space<vmem>>
    %dma_start3A_24 = tpu.memref_squeeze %dma_start3A_23 : memref<1x128xi32, #tpu.memory_space<vmem>> -> memref<128xi32, #tpu.memory_space<vmem>>
    %dma_start3A_25 = arith.constant 0 : i32
    %dma_start3A_26 = arith.constant 0 : i32
    %dma_start3A_27 = tpu.memref_slice %arg3[%dma_start3A_25, %dma_start3A_26] : memref<1000000x64xf32, #tpu.memory_space<hbm>> -> memref<1000000x64xf32, #tpu.memory_space<hbm>>
    %dma_start3A_28 = tpu.memref_slice %arg7[%dma_start3A_17] : memref<10x!tpu.dma_semaphore, #tpu.memory_space<semaphore_mem>> -> memref<1x!tpu.dma_semaphore, #tpu.memory_space<semaphore_mem>>
    %dma_start3A_29 = tpu.memref_squeeze %dma_start3A_28 : memref<1x!tpu.dma_semaphore, #tpu.memory_space<semaphore_mem>> -> memref<!tpu.dma_semaphore, #tpu.memory_space<semaphore_mem>>
    tpu.enqueue_indirect_dma source(%dma_start3A_27 : memref<1000000x64xf32, #tpu.memory_space<hbm>>) target(%dma_start3A_21 : memref<128x64xf32, #tpu.memory_space<vmem>>) offsets(%dma_start3A_24 : memref<128xi32, #tpu.memory_space<vmem>>) semaphore(%dma_start3A_29 : memref<!tpu.dma_semaphore, #tpu.memory_space<semaphore_mem>>)
    %dma_start3A_30 = arith.constant 2 : i32
    %dma_start3A_31 = arith.constant 2 : i32
    %dma_start3A_32 = arith.constant 2 : i32
    %dma_start3A_33 = arith.constant 0 : i32
    %dma_start3A_34 = arith.constant 0 : i32
    %dma_start3A_35 = tpu.memref_slice %arg6[%dma_start3A_31, %dma_start3A_33, %dma_start3A_34] : memref<10x128x64xf32, #tpu.memory_space<vmem>> -> memref<1x128x64xf32, #tpu.memory_space<vmem>>
    %dma_start3A_36 = tpu.memref_squeeze %dma_start3A_35 : memref<1x128x64xf32, #tpu.memory_space<vmem>> -> memref<128x64xf32, #tpu.memory_space<vmem>>
    %dma_start3A_37 = arith.constant 0 : i32
    %dma_start3A_38 = tpu.memref_slice %arg5[%dma_start3A_30, %dma_start3A_37] : memref<200x128xi32, #tpu.memory_space<vmem>> -> memref<1x128xi32, #tpu.memory_space<vmem>>
    %dma_start3A_39 = tpu.memref_squeeze %dma_start3A_38 : memref<1x128xi32, #tpu.memory_space<vmem>> -> memref<128xi32, #tpu.memory_space<vmem>>
    %dma_start3A_40 = arith.constant 0 : i32
    %dma_start3A_41 = arith.constant 0 : i32
    %dma_start3A_42 = tpu.memref_slice %arg3[%dma_start3A_40, %dma_start3A_41] : memref<1000000x64xf32, #tpu.memory_space<hbm>> -> memref<1000000x64xf32, #tpu.memory_space<hbm>>
    %dma_start3A_43 = tpu.memref_slice %arg7[%dma_start3A_32] : memref<10x!tpu.dma_semaphore, #tpu.memory_space<semaphore_mem>> -> memref<1x!tpu.dma_semaphore, #tpu.memory_space<semaphore_mem>>
    %dma_start3A_44 = tpu.memref_squeeze %dma_start3A_43 : memref<1x!tpu.dma_semaphore, #tpu.memory_space<semaphore_mem>> -> memref<!tpu.dma_semaphore, #tpu.memory_space<semaphore_mem>>
    tpu.enqueue_indirect_dma source(%dma_start3A_42 : memref<1000000x64xf32, #tpu.memory_space<hbm>>) target(%dma_start3A_36 : memref<128x64xf32, #tpu.memory_space<vmem>>) offsets(%dma_start3A_39 : memref<128xi32, #tpu.memory_space<vmem>>) semaphore(%dma_start3A_44 : memref<!tpu.dma_semaphore, #tpu.memory_space<semaphore_mem>>)
    %dma_start3A_45 = arith.constant 3 : i32
    %dma_start3A_46 = arith.constant 3 : i32
    %dma_start3A_47 = arith.constant 3 : i32
    %dma_start3A_48 = arith.constant 0 : i32
    %dma_start3A_49 = arith.constant 0 : i32
    %dma_start3A_50 = tpu.memref_slice %arg6[%dma_start3A_46, %dma_start3A_48, %dma_start3A_49] : memref<10x128x64xf32, #tpu.memory_space<vmem>> -> memref<1x128x64xf32, #tpu.memory_space<vmem>>
    %dma_start3A_51 = tpu.memref_squeeze %dma_start3A_50 : memref<1x128x64xf32, #tpu.memory_space<vmem>> -> memref<128x64xf32, #tpu.memory_space<vmem>>
    %dma_start3A_52 = arith.constant 0 : i32
    %dma_start3A_53 = tpu.memref_slice %arg5[%dma_start3A_45, %dma_start3A_52] : memref<200x128xi32, #tpu.memory_space<vmem>> -> memref<1x128xi32, #tpu.memory_space<vmem>>
    %dma_start3A_54 = tpu.memref_squeeze %dma_start3A_53 : memref<1x128xi32, #tpu.memory_space<vmem>> -> memref<128xi32, #tpu.memory_space<vmem>>
    %dma_start3A_55 = arith.constant 0 : i32
    %dma_start3A_56 = arith.constant 0 : i32
    %dma_start3A_57 = tpu.memref_slice %arg3[%dma_start3A_55, %dma_start3A_56] : memref<1000000x64xf32, #tpu.memory_space<hbm>> -> memref<1000000x64xf32, #tpu.memory_space<hbm>>
    %dma_start3A_58 = tpu.memref_slice %arg7[%dma_start3A_47] : memref<10x!tpu.dma_semaphore, #tpu.memory_space<semaphore_mem>> -> memref<1x!tpu.dma_semaphore, #tpu.memory_space<semaphore_mem>>
    %dma_start3A_59 = tpu.memref_squeeze %dma_start3A_58 : memref<1x!tpu.dma_semaphore, #tpu.memory_space<semaphore_mem>> -> memref<!tpu.dma_semaphore, #tpu.memory_space<semaphore_mem>>
    tpu.enqueue_indirect_dma source(%dma_start3A_57 : memref<1000000x64xf32, #tpu.memory_space<hbm>>) target(%dma_start3A_51 : memref<128x64xf32, #tpu.memory_space<vmem>>) offsets(%dma_start3A_54 : memref<128xi32, #tpu.memory_space<vmem>>) semaphore(%dma_start3A_59 : memref<!tpu.dma_semaphore, #tpu.memory_space<semaphore_mem>>)
    %dma_start3A_60 = arith.constant 4 : i32
    %dma_start3A_61 = arith.constant 4 : i32
    %dma_start3A_62 = arith.constant 4 : i32
    %dma_start3A_63 = arith.constant 0 : i32
    %dma_start3A_64 = arith.constant 0 : i32
    %dma_start3A_65 = tpu.memref_slice %arg6[%dma_start3A_61, %dma_start3A_63, %dma_start3A_64] : memref<10x128x64xf32, #tpu.memory_space<vmem>> -> memref<1x128x64xf32, #tpu.memory_space<vmem>>
    %dma_start3A_66 = tpu.memref_squeeze %dma_start3A_65 : memref<1x128x64xf32, #tpu.memory_space<vmem>> -> memref<128x64xf32, #tpu.memory_space<vmem>>
    %dma_start3A_67 = arith.constant 0 : i32
    %dma_start3A_68 = tpu.memref_slice %arg5[%dma_start3A_60, %dma_start3A_67] : memref<200x128xi32, #tpu.memory_space<vmem>> -> memref<1x128xi32, #tpu.memory_space<vmem>>
    %dma_start3A_69 = tpu.memref_squeeze %dma_start3A_68 : memref<1x128xi32, #tpu.memory_space<vmem>> -> memref<128xi32, #tpu.memory_space<vmem>>
    %dma_start3A_70 = arith.constant 0 : i32
    %dma_start3A_71 = arith.constant 0 : i32
    %dma_start3A_72 = tpu.memref_slice %arg3[%dma_start3A_70, %dma_start3A_71] : memref<1000000x64xf32, #tpu.memory_space<hbm>> -> memref<1000000x64xf32, #tpu.memory_space<hbm>>
    %dma_start3A_73 = tpu.memref_slice %arg7[%dma_start3A_62] : memref<10x!tpu.dma_semaphore, #tpu.memory_space<semaphore_mem>> -> memref<1x!tpu.dma_semaphore, #tpu.memory_space<semaphore_mem>>
    %dma_start3A_74 = tpu.memref_squeeze %dma_start3A_73 : memref<1x!tpu.dma_semaphore, #tpu.memory_space<semaphore_mem>> -> memref<!tpu.dma_semaphore, #tpu.memory_space<semaphore_mem>>
    tpu.enqueue_indirect_dma source(%dma_start3A_72 : memref<1000000x64xf32, #tpu.memory_space<hbm>>) target(%dma_start3A_66 : memref<128x64xf32, #tpu.memory_space<vmem>>) offsets(%dma_start3A_69 : memref<128xi32, #tpu.memory_space<vmem>>) semaphore(%dma_start3A_74 : memref<!tpu.dma_semaphore, #tpu.memory_space<semaphore_mem>>)
    %dma_start3A_75 = arith.constant 5 : i32
    %dma_start3A_76 = arith.constant 5 : i32
    %dma_start3A_77 = arith.constant 5 : i32
    %dma_start3A_78 = arith.constant 0 : i32
    %dma_start3A_79 = arith.constant 0 : i32
    %dma_start3A_80 = tpu.memref_slice %arg6[%dma_start3A_76, %dma_start3A_78, %dma_start3A_79] : memref<10x128x64xf32, #tpu.memory_space<vmem>> -> memref<1x128x64xf32, #tpu.memory_space<vmem>>
    %dma_start3A_81 = tpu.memref_squeeze %dma_start3A_80 : memref<1x128x64xf32, #tpu.memory_space<vmem>> -> memref<128x64xf32, #tpu.memory_space<vmem>>
    %dma_start3A_82 = arith.constant 0 : i32
    %dma_start3A_83 = tpu.memref_slice %arg5[%dma_start3A_75, %dma_start3A_82] : memref<200x128xi32, #tpu.memory_space<vmem>> -> memref<1x128xi32, #tpu.memory_space<vmem>>
    %dma_start3A_84 = tpu.memref_squeeze %dma_start3A_83 : memref<1x128xi32, #tpu.memory_space<vmem>> -> memref<128xi32, #tpu.memory_space<vmem>>
    %dma_start3A_85 = arith.constant 0 : i32
    %dma_start3A_86 = arith.constant 0 : i32
    %dma_start3A_87 = tpu.memref_slice %arg3[%dma_start3A_85, %dma_start3A_86] : memref<1000000x64xf32, #tpu.memory_space<hbm>> -> memref<1000000x64xf32, #tpu.memory_space<hbm>>
    %dma_start3A_88 = tpu.memref_slice %arg7[%dma_start3A_77] : memref<10x!tpu.dma_semaphore, #tpu.memory_space<semaphore_mem>> -> memref<1x!tpu.dma_semaphore, #tpu.memory_space<semaphore_mem>>
    %dma_start3A_89 = tpu.memref_squeeze %dma_start3A_88 : memref<1x!tpu.dma_semaphore, #tpu.memory_space<semaphore_mem>> -> memref<!tpu.dma_semaphore, #tpu.memory_space<semaphore_mem>>
    tpu.enqueue_indirect_dma source(%dma_start3A_87 : memref<1000000x64xf32, #tpu.memory_space<hbm>>) target(%dma_start3A_81 : memref<128x64xf32, #tpu.memory_space<vmem>>) offsets(%dma_start3A_84 : memref<128xi32, #tpu.memory_space<vmem>>) semaphore(%dma_start3A_89 : memref<!tpu.dma_semaphore, #tpu.memory_space<semaphore_mem>>)
    %dma_start3A_90 = arith.constant 6 : i32
    %dma_start3A_91 = arith.constant 6 : i32
    %dma_start3A_92 = arith.constant 6 : i32
    %dma_start3A_93 = arith.constant 0 : i32
    %dma_start3A_94 = arith.constant 0 : i32
    %dma_start3A_95 = tpu.memref_slice %arg6[%dma_start3A_91, %dma_start3A_93, %dma_start3A_94] : memref<10x128x64xf32, #tpu.memory_space<vmem>> -> memref<1x128x64xf32, #tpu.memory_space<vmem>>
    %dma_start3A_96 = tpu.memref_squeeze %dma_start3A_95 : memref<1x128x64xf32, #tpu.memory_space<vmem>> -> memref<128x64xf32, #tpu.memory_space<vmem>>
    %dma_start3A_97 = arith.constant 0 : i32
    %dma_start3A_98 = tpu.memref_slice %arg5[%dma_start3A_90, %dma_start3A_97] : memref<200x128xi32, #tpu.memory_space<vmem>> -> memref<1x128xi32, #tpu.memory_space<vmem>>
    %dma_start3A_99 = tpu.memref_squeeze %dma_start3A_98 : memref<1x128xi32, #tpu.memory_space<vmem>> -> memref<128xi32, #tpu.memory_space<vmem>>
    %dma_start3A_100 = arith.constant 0 : i32
    %dma_start3A_101 = arith.constant 0 : i32
    %dma_start3A_102 = tpu.memref_slice %arg3[%dma_start3A_100, %dma_start3A_101] : memref<1000000x64xf32, #tpu.memory_space<hbm>> -> memref<1000000x64xf32, #tpu.memory_space<hbm>>
    %dma_start3A_103 = tpu.memref_slice %arg7[%dma_start3A_92] : memref<10x!tpu.dma_semaphore, #tpu.memory_space<semaphore_mem>> -> memref<1x!tpu.dma_semaphore, #tpu.memory_space<semaphore_mem>>
    %dma_start3A_104 = tpu.memref_squeeze %dma_start3A_103 : memref<1x!tpu.dma_semaphore, #tpu.memory_space<semaphore_mem>> -> memref<!tpu.dma_semaphore, #tpu.memory_space<semaphore_mem>>
    tpu.enqueue_indirect_dma source(%dma_start3A_102 : memref<1000000x64xf32, #tpu.memory_space<hbm>>) target(%dma_start3A_96 : memref<128x64xf32, #tpu.memory_space<vmem>>) offsets(%dma_start3A_99 : memref<128xi32, #tpu.memory_space<vmem>>) semaphore(%dma_start3A_104 : memref<!tpu.dma_semaphore, #tpu.memory_space<semaphore_mem>>)
    %dma_start3A_105 = arith.constant 7 : i32
    %dma_start3A_106 = arith.constant 7 : i32
    %dma_start3A_107 = arith.constant 7 : i32
    %dma_start3A_108 = arith.constant 0 : i32
    %dma_start3A_109 = arith.constant 0 : i32
    %dma_start3A_110 = tpu.memref_slice %arg6[%dma_start3A_106, %dma_start3A_108, %dma_start3A_109] : memref<10x128x64xf32, #tpu.memory_space<vmem>> -> memref<1x128x64xf32, #tpu.memory_space<vmem>>
    %dma_start3A_111 = tpu.memref_squeeze %dma_start3A_110 : memref<1x128x64xf32, #tpu.memory_space<vmem>> -> memref<128x64xf32, #tpu.memory_space<vmem>>
    %dma_start3A_112 = arith.constant 0 : i32
    %dma_start3A_113 = tpu.memref_slice %arg5[%dma_start3A_105, %dma_start3A_112] : memref<200x128xi32, #tpu.memory_space<vmem>> -> memref<1x128xi32, #tpu.memory_space<vmem>>
    %dma_start3A_114 = tpu.memref_squeeze %dma_start3A_113 : memref<1x128xi32, #tpu.memory_space<vmem>> -> memref<128xi32, #tpu.memory_space<vmem>>
    %dma_start3A_115 = arith.constant 0 : i32
    %dma_start3A_116 = arith.constant 0 : i32
    %dma_start3A_117 = tpu.memref_slice %arg3[%dma_start3A_115, %dma_start3A_116] : memref<1000000x64xf32, #tpu.memory_space<hbm>> -> memref<1000000x64xf32, #tpu.memory_space<hbm>>
    %dma_start3A_118 = tpu.memref_slice %arg7[%dma_start3A_107] : memref<10x!tpu.dma_semaphore, #tpu.memory_space<semaphore_mem>> -> memref<1x!tpu.dma_semaphore, #tpu.memory_space<semaphore_mem>>
    %dma_start3A_119 = tpu.memref_squeeze %dma_start3A_118 : memref<1x!tpu.dma_semaphore, #tpu.memory_space<semaphore_mem>> -> memref<!tpu.dma_semaphore, #tpu.memory_space<semaphore_mem>>
    tpu.enqueue_indirect_dma source(%dma_start3A_117 : memref<1000000x64xf32, #tpu.memory_space<hbm>>) target(%dma_start3A_111 : memref<128x64xf32, #tpu.memory_space<vmem>>) offsets(%dma_start3A_114 : memref<128xi32, #tpu.memory_space<vmem>>) semaphore(%dma_start3A_119 : memref<!tpu.dma_semaphore, #tpu.memory_space<semaphore_mem>>)
    %dma_start3A_120 = arith.constant 8 : i32
    %dma_start3A_121 = arith.constant 8 : i32
    %dma_start3A_122 = arith.constant 8 : i32
    %dma_start3A_123 = arith.constant 0 : i32
    %dma_start3A_124 = arith.constant 0 : i32
    %dma_start3A_125 = tpu.memref_slice %arg6[%dma_start3A_121, %dma_start3A_123, %dma_start3A_124] : memref<10x128x64xf32, #tpu.memory_space<vmem>> -> memref<1x128x64xf32, #tpu.memory_space<vmem>>
    %dma_start3A_126 = tpu.memref_squeeze %dma_start3A_125 : memref<1x128x64xf32, #tpu.memory_space<vmem>> -> memref<128x64xf32, #tpu.memory_space<vmem>>
    %dma_start3A_127 = arith.constant 0 : i32
    %dma_start3A_128 = tpu.memref_slice %arg5[%dma_start3A_120, %dma_start3A_127] : memref<200x128xi32, #tpu.memory_space<vmem>> -> memref<1x128xi32, #tpu.memory_space<vmem>>
    %dma_start3A_129 = tpu.memref_squeeze %dma_start3A_128 : memref<1x128xi32, #tpu.memory_space<vmem>> -> memref<128xi32, #tpu.memory_space<vmem>>
    %dma_start3A_130 = arith.constant 0 : i32
    %dma_start3A_131 = arith.constant 0 : i32
    %dma_start3A_132 = tpu.memref_slice %arg3[%dma_start3A_130, %dma_start3A_131] : memref<1000000x64xf32, #tpu.memory_space<hbm>> -> memref<1000000x64xf32, #tpu.memory_space<hbm>>
    %dma_start3A_133 = tpu.memref_slice %arg7[%dma_start3A_122] : memref<10x!tpu.dma_semaphore, #tpu.memory_space<semaphore_mem>> -> memref<1x!tpu.dma_semaphore, #tpu.memory_space<semaphore_mem>>
    %dma_start3A_134 = tpu.memref_squeeze %dma_start3A_133 : memref<1x!tpu.dma_semaphore, #tpu.memory_space<semaphore_mem>> -> memref<!tpu.dma_semaphore, #tpu.memory_space<semaphore_mem>>
    tpu.enqueue_indirect_dma source(%dma_start3A_132 : memref<1000000x64xf32, #tpu.memory_space<hbm>>) target(%dma_start3A_126 : memref<128x64xf32, #tpu.memory_space<vmem>>) offsets(%dma_start3A_129 : memref<128xi32, #tpu.memory_space<vmem>>) semaphore(%dma_start3A_134 : memref<!tpu.dma_semaphore, #tpu.memory_space<semaphore_mem>>)
    %dma_start3A_135 = arith.constant 9 : i32
    %dma_start3A_136 = arith.constant 9 : i32
    %dma_start3A_137 = arith.constant 9 : i32
    %dma_start3A_138 = arith.constant 0 : i32
    %dma_start3A_139 = arith.constant 0 : i32
    %dma_start3A_140 = tpu.memref_slice %arg6[%dma_start3A_136, %dma_start3A_138, %dma_start3A_139] : memref<10x128x64xf32, #tpu.memory_space<vmem>> -> memref<1x128x64xf32, #tpu.memory_space<vmem>>
    %dma_start3A_141 = tpu.memref_squeeze %dma_start3A_140 : memref<1x128x64xf32, #tpu.memory_space<vmem>> -> memref<128x64xf32, #tpu.memory_space<vmem>>
    %dma_start3A_142 = arith.constant 0 : i32
    %dma_start3A_143 = tpu.memref_slice %arg5[%dma_start3A_135, %dma_start3A_142] : memref<200x128xi32, #tpu.memory_space<vmem>> -> memref<1x128xi32, #tpu.memory_space<vmem>>
    %dma_start3A_144 = tpu.memref_squeeze %dma_start3A_143 : memref<1x128xi32, #tpu.memory_space<vmem>> -> memref<128xi32, #tpu.memory_space<vmem>>
    %dma_start3A_145 = arith.constant 0 : i32
    %dma_start3A_146 = arith.constant 0 : i32
    %dma_start3A_147 = tpu.memref_slice %arg3[%dma_start3A_145, %dma_start3A_146] : memref<1000000x64xf32, #tpu.memory_space<hbm>> -> memref<1000000x64xf32, #tpu.memory_space<hbm>>
    %dma_start3A_148 = tpu.memref_slice %arg7[%dma_start3A_137] : memref<10x!tpu.dma_semaphore, #tpu.memory_space<semaphore_mem>> -> memref<1x!tpu.dma_semaphore, #tpu.memory_space<semaphore_mem>>
    %dma_start3A_149 = tpu.memref_squeeze %dma_start3A_148 : memref<1x!tpu.dma_semaphore, #tpu.memory_space<semaphore_mem>> -> memref<!tpu.dma_semaphore, #tpu.memory_space<semaphore_mem>>
    tpu.enqueue_indirect_dma source(%dma_start3A_147 : memref<1000000x64xf32, #tpu.memory_space<hbm>>) target(%dma_start3A_141 : memref<128x64xf32, #tpu.memory_space<vmem>>) offsets(%dma_start3A_144 : memref<128xi32, #tpu.memory_space<vmem>>) semaphore(%dma_start3A_149 : memref<!tpu.dma_semaphore, #tpu.memory_space<semaphore_mem>>)
    %scan3A = arith.constant 0 : i32
    %scan3A_150 = arith.constant 0 : i32
    %scan3A_151 = arith.constant 20 : i32
    %scan3A_152 = arith.addi %scan3A_150, %scan3A_151 : i32
    %scan3A_153 = arith.constant 1 : i32
    scf.for %scan3A_364 = %scan3A_150 to %scan3A_152 step %scan3A_153  : i32 {
      %mul3A_365 = arith.constant 10 : i32
      %mul3A_366 = arith.muli %scan3A_364, %mul3A_365 : i32
      %add3A_367 = arith.constant 0 : i32
      %add3A_368 = arith.addi %mul3A_366, %add3A_367 : i32
      %dma_wait3A_369 = arith.constant 0 : i32
      %dma_wait3A_370 = arith.constant 0 : i32
      %dma_wait3A_371 = arith.constant 0 : i32
      %dma_wait3A_372 = arith.constant 0 : i32
      %dma_wait3A_373 = tpu.memref_slice %arg6[%dma_wait3A_369, %dma_wait3A_371, %dma_wait3A_372] : memref<10x128x64xf32, #tpu.memory_space<vmem>> -> memref<1x128x64xf32, #tpu.memory_space<vmem>>
      %dma_wait3A_374 = tpu.memref_squeeze %dma_wait3A_373 : memref<1x128x64xf32, #tpu.memory_space<vmem>> -> memref<128x64xf32, #tpu.memory_space<vmem>>
      %dma_wait3A_375 = arith.constant 0 : i32
      %dma_wait3A_376 = tpu.memref_slice %arg5[%add3A_368, %dma_wait3A_375] : memref<200x128xi32, #tpu.memory_space<vmem>> -> memref<1x128xi32, #tpu.memory_space<vmem>>
      %dma_wait3A_377 = tpu.memref_squeeze %dma_wait3A_376 : memref<1x128xi32, #tpu.memory_space<vmem>> -> memref<128xi32, #tpu.memory_space<vmem>>
      %dma_wait3A_378 = arith.constant 0 : i32
      %dma_wait3A_379 = arith.constant 0 : i32
      %dma_wait3A_380 = tpu.memref_slice %arg3[%dma_wait3A_378, %dma_wait3A_379] : memref<1000000x64xf32, #tpu.memory_space<hbm>> -> memref<1000000x64xf32, #tpu.memory_space<hbm>>
      %dma_wait3A_381 = tpu.memref_slice %arg7[%dma_wait3A_370] : memref<10x!tpu.dma_semaphore, #tpu.memory_space<semaphore_mem>> -> memref<1x!tpu.dma_semaphore, #tpu.memory_space<semaphore_mem>>
      %dma_wait3A_382 = tpu.memref_squeeze %dma_wait3A_381 : memref<1x!tpu.dma_semaphore, #tpu.memory_space<semaphore_mem>> -> memref<!tpu.dma_semaphore, #tpu.memory_space<semaphore_mem>>
      tpu.wait_indirect_dma semaphore(%dma_wait3A_382 : memref<!tpu.dma_semaphore, #tpu.memory_space<semaphore_mem>>) src(%dma_wait3A_380 : memref<1000000x64xf32, #tpu.memory_space<hbm>>) dst(%dma_wait3A_374 : memref<128x64xf32, #tpu.memory_space<vmem>>)
      %dma_start3A_383 = arith.constant 0 : i32
      %dma_start3A_384 = arith.constant 0 : i32
      %dma_start3A_385 = arith.constant 0 : i32
      %dma_start3A_386 = arith.constant 0 : i32
      %dma_start3A_387 = tpu.memref_slice %arg6[%dma_start3A_383, %dma_start3A_385, %dma_start3A_386] : memref<10x128x64xf32, #tpu.memory_space<vmem>> -> memref<1x128x64xf32, #tpu.memory_space<vmem>>
      %dma_start3A_388 = tpu.memref_squeeze %dma_start3A_387 : memref<1x128x64xf32, #tpu.memory_space<vmem>> -> memref<128x64xf32, #tpu.memory_space<vmem>>
      %dma_start3A_389 = arith.constant 0 : i32
      %dma_start3A_390 = arith.constant 0 : i32
      %dma_start3A_391 = tpu.memref_slice %arg4[%add3A, %add3A_368, %dma_start3A_389, %dma_start3A_390] : memref<32x200x128x64xf32, #tpu.memory_space<hbm>> -> memref<1x1x128x64xf32, #tpu.memory_space<hbm>>
      %dma_start3A_392 = tpu.memref_squeeze %dma_start3A_391 : memref<1x1x128x64xf32, #tpu.memory_space<hbm>> -> memref<128x64xf32, #tpu.memory_space<hbm>>
      %dma_start3A_393 = tpu.memref_slice %arg8[%dma_start3A_384] : memref<10x!tpu.dma_semaphore, #tpu.memory_space<semaphore_mem>> -> memref<1x!tpu.dma_semaphore, #tpu.memory_space<semaphore_mem>>
      %dma_start3A_394 = tpu.memref_squeeze %dma_start3A_393 : memref<1x!tpu.dma_semaphore, #tpu.memory_space<semaphore_mem>> -> memref<!tpu.dma_semaphore, #tpu.memory_space<semaphore_mem>>
      %dma_start3A_395 = arith.constant 0 : i32
      %dma_start3A_396 = arith.constant 0 : i32
      %dma_start3A_397 = tpu.memref_slice %arg4[%add3A, %add3A_368, %dma_start3A_395, %dma_start3A_396] : memref<32x200x128x64xf32, #tpu.memory_space<hbm>> -> memref<1x1x128x64xf32, #tpu.memory_space<hbm>>
      %dma_start3A_398 = tpu.memref_squeeze %dma_start3A_397 : memref<1x1x128x64xf32, #tpu.memory_space<hbm>> -> memref<128x64xf32, #tpu.memory_space<hbm>>
      %dma_start3A_399 = arith.constant 0 : i32
      %dma_start3A_400 = arith.constant 0 : i32
      %dma_start3A_401 = tpu.memref_slice %arg6[%dma_start3A_383, %dma_start3A_399, %dma_start3A_400] : memref<10x128x64xf32, #tpu.memory_space<vmem>> -> memref<1x128x64xf32, #tpu.memory_space<vmem>>
      %dma_start3A_402 = tpu.memref_squeeze %dma_start3A_401 : memref<1x128x64xf32, #tpu.memory_space<vmem>> -> memref<128x64xf32, #tpu.memory_space<vmem>>
      tpu.enqueue_dma source(%dma_start3A_402 : memref<128x64xf32, #tpu.memory_space<vmem>>) target(%dma_start3A_398 : memref<128x64xf32, #tpu.memory_space<hbm>>) target_semaphore(%dma_start3A_394 : memref<!tpu.dma_semaphore, #tpu.memory_space<semaphore_mem>>)
      %add3A_403 = arith.constant 1 : i32
      %add3A_404 = arith.addi %mul3A_366, %add3A_403 : i32
      %dma_wait3A_405 = arith.constant 1 : i32
      %dma_wait3A_406 = arith.constant 1 : i32
      %dma_wait3A_407 = arith.constant 0 : i32
      %dma_wait3A_408 = arith.constant 0 : i32
      %dma_wait3A_409 = tpu.memref_slice %arg6[%dma_wait3A_405, %dma_wait3A_407, %dma_wait3A_408] : memref<10x128x64xf32, #tpu.memory_space<vmem>> -> memref<1x128x64xf32, #tpu.memory_space<vmem>>
      %dma_wait3A_410 = tpu.memref_squeeze %dma_wait3A_409 : memref<1x128x64xf32, #tpu.memory_space<vmem>> -> memref<128x64xf32, #tpu.memory_space<vmem>>
      %dma_wait3A_411 = arith.constant 0 : i32
      %dma_wait3A_412 = tpu.memref_slice %arg5[%add3A_404, %dma_wait3A_411] : memref<200x128xi32, #tpu.memory_space<vmem>> -> memref<1x128xi32, #tpu.memory_space<vmem>>
      %dma_wait3A_413 = tpu.memref_squeeze %dma_wait3A_412 : memref<1x128xi32, #tpu.memory_space<vmem>> -> memref<128xi32, #tpu.memory_space<vmem>>
      %dma_wait3A_414 = arith.constant 0 : i32
      %dma_wait3A_415 = arith.constant 0 : i32
      %dma_wait3A_416 = tpu.memref_slice %arg3[%dma_wait3A_414, %dma_wait3A_415] : memref<1000000x64xf32, #tpu.memory_space<hbm>> -> memref<1000000x64xf32, #tpu.memory_space<hbm>>
      %dma_wait3A_417 = tpu.memref_slice %arg7[%dma_wait3A_406] : memref<10x!tpu.dma_semaphore, #tpu.memory_space<semaphore_mem>> -> memref<1x!tpu.dma_semaphore, #tpu.memory_space<semaphore_mem>>
      %dma_wait3A_418 = tpu.memref_squeeze %dma_wait3A_417 : memref<1x!tpu.dma_semaphore, #tpu.memory_space<semaphore_mem>> -> memref<!tpu.dma_semaphore, #tpu.memory_space<semaphore_mem>>
      tpu.wait_indirect_dma semaphore(%dma_wait3A_418 : memref<!tpu.dma_semaphore, #tpu.memory_space<semaphore_mem>>) src(%dma_wait3A_416 : memref<1000000x64xf32, #tpu.memory_space<hbm>>) dst(%dma_wait3A_410 : memref<128x64xf32, #tpu.memory_space<vmem>>)
      %dma_start3A_419 = arith.constant 1 : i32
      %dma_start3A_420 = arith.constant 1 : i32
      %dma_start3A_421 = arith.constant 0 : i32
      %dma_start3A_422 = arith.constant 0 : i32
      %dma_start3A_423 = tpu.memref_slice %arg6[%dma_start3A_419, %dma_start3A_421, %dma_start3A_422] : memref<10x128x64xf32, #tpu.memory_space<vmem>> -> memref<1x128x64xf32, #tpu.memory_space<vmem>>
      %dma_start3A_424 = tpu.memref_squeeze %dma_start3A_423 : memref<1x128x64xf32, #tpu.memory_space<vmem>> -> memref<128x64xf32, #tpu.memory_space<vmem>>
      %dma_start3A_425 = arith.constant 0 : i32
      %dma_start3A_426 = arith.constant 0 : i32
      %dma_start3A_427 = tpu.memref_slice %arg4[%add3A, %add3A_404, %dma_start3A_425, %dma_start3A_426] : memref<32x200x128x64xf32, #tpu.memory_space<hbm>> -> memref<1x1x128x64xf32, #tpu.memory_space<hbm>>
      %dma_start3A_428 = tpu.memref_squeeze %dma_start3A_427 : memref<1x1x128x64xf32, #tpu.memory_space<hbm>> -> memref<128x64xf32, #tpu.memory_space<hbm>>
      %dma_start3A_429 = tpu.memref_slice %arg8[%dma_start3A_420] : memref<10x!tpu.dma_semaphore, #tpu.memory_space<semaphore_mem>> -> memref<1x!tpu.dma_semaphore, #tpu.memory_space<semaphore_mem>>
      %dma_start3A_430 = tpu.memref_squeeze %dma_start3A_429 : memref<1x!tpu.dma_semaphore, #tpu.memory_space<semaphore_mem>> -> memref<!tpu.dma_semaphore, #tpu.memory_space<semaphore_mem>>
      %dma_start3A_431 = arith.constant 0 : i32
      %dma_start3A_432 = arith.constant 0 : i32
      %dma_start3A_433 = tpu.memref_slice %arg4[%add3A, %add3A_404, %dma_start3A_431, %dma_start3A_432] : memref<32x200x128x64xf32, #tpu.memory_space<hbm>> -> memref<1x1x128x64xf32, #tpu.memory_space<hbm>>
      %dma_start3A_434 = tpu.memref_squeeze %dma_start3A_433 : memref<1x1x128x64xf32, #tpu.memory_space<hbm>> -> memref<128x64xf32, #tpu.memory_space<hbm>>
      %dma_start3A_435 = arith.constant 0 : i32
      %dma_start3A_436 = arith.constant 0 : i32
      %dma_start3A_437 = tpu.memref_slice %arg6[%dma_start3A_419, %dma_start3A_435, %dma_start3A_436] : memref<10x128x64xf32, #tpu.memory_space<vmem>> -> memref<1x128x64xf32, #tpu.memory_space<vmem>>
      %dma_start3A_438 = tpu.memref_squeeze %dma_start3A_437 : memref<1x128x64xf32, #tpu.memory_space<vmem>> -> memref<128x64xf32, #tpu.memory_space<vmem>>
      tpu.enqueue_dma source(%dma_start3A_438 : memref<128x64xf32, #tpu.memory_space<vmem>>) target(%dma_start3A_434 : memref<128x64xf32, #tpu.memory_space<hbm>>) target_semaphore(%dma_start3A_430 : memref<!tpu.dma_semaphore, #tpu.memory_space<semaphore_mem>>)
      %add3A_439 = arith.constant 2 : i32
      %add3A_440 = arith.addi %mul3A_366, %add3A_439 : i32
      %dma_wait3A_441 = arith.constant 2 : i32
      %dma_wait3A_442 = arith.constant 2 : i32
      %dma_wait3A_443 = arith.constant 0 : i32
      %dma_wait3A_444 = arith.constant 0 : i32
      %dma_wait3A_445 = tpu.memref_slice %arg6[%dma_wait3A_441, %dma_wait3A_443, %dma_wait3A_444] : memref<10x128x64xf32, #tpu.memory_space<vmem>> -> memref<1x128x64xf32, #tpu.memory_space<vmem>>
      %dma_wait3A_446 = tpu.memref_squeeze %dma_wait3A_445 : memref<1x128x64xf32, #tpu.memory_space<vmem>> -> memref<128x64xf32, #tpu.memory_space<vmem>>
      %dma_wait3A_447 = arith.constant 0 : i32
      %dma_wait3A_448 = tpu.memref_slice %arg5[%add3A_440, %dma_wait3A_447] : memref<200x128xi32, #tpu.memory_space<vmem>> -> memref<1x128xi32, #tpu.memory_space<vmem>>
      %dma_wait3A_449 = tpu.memref_squeeze %dma_wait3A_448 : memref<1x128xi32, #tpu.memory_space<vmem>> -> memref<128xi32, #tpu.memory_space<vmem>>
      %dma_wait3A_450 = arith.constant 0 : i32
      %dma_wait3A_451 = arith.constant 0 : i32
      %dma_wait3A_452 = tpu.memref_slice %arg3[%dma_wait3A_450, %dma_wait3A_451] : memref<1000000x64xf32, #tpu.memory_space<hbm>> -> memref<1000000x64xf32, #tpu.memory_space<hbm>>
      %dma_wait3A_453 = tpu.memref_slice %arg7[%dma_wait3A_442] : memref<10x!tpu.dma_semaphore, #tpu.memory_space<semaphore_mem>> -> memref<1x!tpu.dma_semaphore, #tpu.memory_space<semaphore_mem>>
      %dma_wait3A_454 = tpu.memref_squeeze %dma_wait3A_453 : memref<1x!tpu.dma_semaphore, #tpu.memory_space<semaphore_mem>> -> memref<!tpu.dma_semaphore, #tpu.memory_space<semaphore_mem>>
      tpu.wait_indirect_dma semaphore(%dma_wait3A_454 : memref<!tpu.dma_semaphore, #tpu.memory_space<semaphore_mem>>) src(%dma_wait3A_452 : memref<1000000x64xf32, #tpu.memory_space<hbm>>) dst(%dma_wait3A_446 : memref<128x64xf32, #tpu.memory_space<vmem>>)
      %dma_start3A_455 = arith.constant 2 : i32
      %dma_start3A_456 = arith.constant 2 : i32
      %dma_start3A_457 = arith.constant 0 : i32
      %dma_start3A_458 = arith.constant 0 : i32
      %dma_start3A_459 = tpu.memref_slice %arg6[%dma_start3A_455, %dma_start3A_457, %dma_start3A_458] : memref<10x128x64xf32, #tpu.memory_space<vmem>> -> memref<1x128x64xf32, #tpu.memory_space<vmem>>
      %dma_start3A_460 = tpu.memref_squeeze %dma_start3A_459 : memref<1x128x64xf32, #tpu.memory_space<vmem>> -> memref<128x64xf32, #tpu.memory_space<vmem>>
      %dma_start3A_461 = arith.constant 0 : i32
      %dma_start3A_462 = arith.constant 0 : i32
      %dma_start3A_463 = tpu.memref_slice %arg4[%add3A, %add3A_440, %dma_start3A_461, %dma_start3A_462] : memref<32x200x128x64xf32, #tpu.memory_space<hbm>> -> memref<1x1x128x64xf32, #tpu.memory_space<hbm>>
      %dma_start3A_464 = tpu.memref_squeeze %dma_start3A_463 : memref<1x1x128x64xf32, #tpu.memory_space<hbm>> -> memref<128x64xf32, #tpu.memory_space<hbm>>
      %dma_start3A_465 = tpu.memref_slice %arg8[%dma_start3A_456] : memref<10x!tpu.dma_semaphore, #tpu.memory_space<semaphore_mem>> -> memref<1x!tpu.dma_semaphore, #tpu.memory_space<semaphore_mem>>
      %dma_start3A_466 = tpu.memref_squeeze %dma_start3A_465 : memref<1x!tpu.dma_semaphore, #tpu.memory_space<semaphore_mem>> -> memref<!tpu.dma_semaphore, #tpu.memory_space<semaphore_mem>>
      %dma_start3A_467 = arith.constant 0 : i32
      %dma_start3A_468 = arith.constant 0 : i32
      %dma_start3A_469 = tpu.memref_slice %arg4[%add3A, %add3A_440, %dma_start3A_467, %dma_start3A_468] : memref<32x200x128x64xf32, #tpu.memory_space<hbm>> -> memref<1x1x128x64xf32, #tpu.memory_space<hbm>>
      %dma_start3A_470 = tpu.memref_squeeze %dma_start3A_469 : memref<1x1x128x64xf32, #tpu.memory_space<hbm>> -> memref<128x64xf32, #tpu.memory_space<hbm>>
      %dma_start3A_471 = arith.constant 0 : i32
      %dma_start3A_472 = arith.constant 0 : i32
      %dma_start3A_473 = tpu.memref_slice %arg6[%dma_start3A_455, %dma_start3A_471, %dma_start3A_472] : memref<10x128x64xf32, #tpu.memory_space<vmem>> -> memref<1x128x64xf32, #tpu.memory_space<vmem>>
      %dma_start3A_474 = tpu.memref_squeeze %dma_start3A_473 : memref<1x128x64xf32, #tpu.memory_space<vmem>> -> memref<128x64xf32, #tpu.memory_space<vmem>>
      tpu.enqueue_dma source(%dma_start3A_474 : memref<128x64xf32, #tpu.memory_space<vmem>>) target(%dma_start3A_470 : memref<128x64xf32, #tpu.memory_space<hbm>>) target_semaphore(%dma_start3A_466 : memref<!tpu.dma_semaphore, #tpu.memory_space<semaphore_mem>>)
      %add3A_475 = arith.constant 3 : i32
      %add3A_476 = arith.addi %mul3A_366, %add3A_475 : i32
      %dma_wait3A_477 = arith.constant 3 : i32
      %dma_wait3A_478 = arith.constant 3 : i32
      %dma_wait3A_479 = arith.constant 0 : i32
      %dma_wait3A_480 = arith.constant 0 : i32
      %dma_wait3A_481 = tpu.memref_slice %arg6[%dma_wait3A_477, %dma_wait3A_479, %dma_wait3A_480] : memref<10x128x64xf32, #tpu.memory_space<vmem>> -> memref<1x128x64xf32, #tpu.memory_space<vmem>>
      %dma_wait3A_482 = tpu.memref_squeeze %dma_wait3A_481 : memref<1x128x64xf32, #tpu.memory_space<vmem>> -> memref<128x64xf32, #tpu.memory_space<vmem>>
      %dma_wait3A_483 = arith.constant 0 : i32
      %dma_wait3A_484 = tpu.memref_slice %arg5[%add3A_476, %dma_wait3A_483] : memref<200x128xi32, #tpu.memory_space<vmem>> -> memref<1x128xi32, #tpu.memory_space<vmem>>
      %dma_wait3A_485 = tpu.memref_squeeze %dma_wait3A_484 : memref<1x128xi32, #tpu.memory_space<vmem>> -> memref<128xi32, #tpu.memory_space<vmem>>
      %dma_wait3A_486 = arith.constant 0 : i32
      %dma_wait3A_487 = arith.constant 0 : i32
      %dma_wait3A_488 = tpu.memref_slice %arg3[%dma_wait3A_486, %dma_wait3A_487] : memref<1000000x64xf32, #tpu.memory_space<hbm>> -> memref<1000000x64xf32, #tpu.memory_space<hbm>>
      %dma_wait3A_489 = tpu.memref_slice %arg7[%dma_wait3A_478] : memref<10x!tpu.dma_semaphore, #tpu.memory_space<semaphore_mem>> -> memref<1x!tpu.dma_semaphore, #tpu.memory_space<semaphore_mem>>
      %dma_wait3A_490 = tpu.memref_squeeze %dma_wait3A_489 : memref<1x!tpu.dma_semaphore, #tpu.memory_space<semaphore_mem>> -> memref<!tpu.dma_semaphore, #tpu.memory_space<semaphore_mem>>
      tpu.wait_indirect_dma semaphore(%dma_wait3A_490 : memref<!tpu.dma_semaphore, #tpu.memory_space<semaphore_mem>>) src(%dma_wait3A_488 : memref<1000000x64xf32, #tpu.memory_space<hbm>>) dst(%dma_wait3A_482 : memref<128x64xf32, #tpu.memory_space<vmem>>)
      %dma_start3A_491 = arith.constant 3 : i32
      %dma_start3A_492 = arith.constant 3 : i32
      %dma_start3A_493 = arith.constant 0 : i32
      %dma_start3A_494 = arith.constant 0 : i32
      %dma_start3A_495 = tpu.memref_slice %arg6[%dma_start3A_491, %dma_start3A_493, %dma_start3A_494] : memref<10x128x64xf32, #tpu.memory_space<vmem>> -> memref<1x128x64xf32, #tpu.memory_space<vmem>>
      %dma_start3A_496 = tpu.memref_squeeze %dma_start3A_495 : memref<1x128x64xf32, #tpu.memory_space<vmem>> -> memref<128x64xf32, #tpu.memory_space<vmem>>
      %dma_start3A_497 = arith.constant 0 : i32
      %dma_start3A_498 = arith.constant 0 : i32
      %dma_start3A_499 = tpu.memref_slice %arg4[%add3A, %add3A_476, %dma_start3A_497, %dma_start3A_498] : memref<32x200x128x64xf32, #tpu.memory_space<hbm>> -> memref<1x1x128x64xf32, #tpu.memory_space<hbm>>
      %dma_start3A_500 = tpu.memref_squeeze %dma_start3A_499 : memref<1x1x128x64xf32, #tpu.memory_space<hbm>> -> memref<128x64xf32, #tpu.memory_space<hbm>>
      %dma_start3A_501 = tpu.memref_slice %arg8[%dma_start3A_492] : memref<10x!tpu.dma_semaphore, #tpu.memory_space<semaphore_mem>> -> memref<1x!tpu.dma_semaphore, #tpu.memory_space<semaphore_mem>>
      %dma_start3A_502 = tpu.memref_squeeze %dma_start3A_501 : memref<1x!tpu.dma_semaphore, #tpu.memory_space<semaphore_mem>> -> memref<!tpu.dma_semaphore, #tpu.memory_space<semaphore_mem>>
      %dma_start3A_503 = arith.constant 0 : i32
      %dma_start3A_504 = arith.constant 0 : i32
      %dma_start3A_505 = tpu.memref_slice %arg4[%add3A, %add3A_476, %dma_start3A_503, %dma_start3A_504] : memref<32x200x128x64xf32, #tpu.memory_space<hbm>> -> memref<1x1x128x64xf32, #tpu.memory_space<hbm>>
      %dma_start3A_506 = tpu.memref_squeeze %dma_start3A_505 : memref<1x1x128x64xf32, #tpu.memory_space<hbm>> -> memref<128x64xf32, #tpu.memory_space<hbm>>
      %dma_start3A_507 = arith.constant 0 : i32
      %dma_start3A_508 = arith.constant 0 : i32
      %dma_start3A_509 = tpu.memref_slice %arg6[%dma_start3A_491, %dma_start3A_507, %dma_start3A_508] : memref<10x128x64xf32, #tpu.memory_space<vmem>> -> memref<1x128x64xf32, #tpu.memory_space<vmem>>
      %dma_start3A_510 = tpu.memref_squeeze %dma_start3A_509 : memref<1x128x64xf32, #tpu.memory_space<vmem>> -> memref<128x64xf32, #tpu.memory_space<vmem>>
      tpu.enqueue_dma source(%dma_start3A_510 : memref<128x64xf32, #tpu.memory_space<vmem>>) target(%dma_start3A_506 : memref<128x64xf32, #tpu.memory_space<hbm>>) target_semaphore(%dma_start3A_502 : memref<!tpu.dma_semaphore, #tpu.memory_space<semaphore_mem>>)
      %add3A_511 = arith.constant 4 : i32
      %add3A_512 = arith.addi %mul3A_366, %add3A_511 : i32
      %dma_wait3A_513 = arith.constant 4 : i32
      %dma_wait3A_514 = arith.constant 4 : i32
      %dma_wait3A_515 = arith.constant 0 : i32
      %dma_wait3A_516 = arith.constant 0 : i32
      %dma_wait3A_517 = tpu.memref_slice %arg6[%dma_wait3A_513, %dma_wait3A_515, %dma_wait3A_516] : memref<10x128x64xf32, #tpu.memory_space<vmem>> -> memref<1x128x64xf32, #tpu.memory_space<vmem>>
      %dma_wait3A_518 = tpu.memref_squeeze %dma_wait3A_517 : memref<1x128x64xf32, #tpu.memory_space<vmem>> -> memref<128x64xf32, #tpu.memory_space<vmem>>
      %dma_wait3A_519 = arith.constant 0 : i32
      %dma_wait3A_520 = tpu.memref_slice %arg5[%add3A_512, %dma_wait3A_519] : memref<200x128xi32, #tpu.memory_space<vmem>> -> memref<1x128xi32, #tpu.memory_space<vmem>>
      %dma_wait3A_521 = tpu.memref_squeeze %dma_wait3A_520 : memref<1x128xi32, #tpu.memory_space<vmem>> -> memref<128xi32, #tpu.memory_space<vmem>>
      %dma_wait3A_522 = arith.constant 0 : i32
      %dma_wait3A_523 = arith.constant 0 : i32
      %dma_wait3A_524 = tpu.memref_slice %arg3[%dma_wait3A_522, %dma_wait3A_523] : memref<1000000x64xf32, #tpu.memory_space<hbm>> -> memref<1000000x64xf32, #tpu.memory_space<hbm>>
      %dma_wait3A_525 = tpu.memref_slice %arg7[%dma_wait3A_514] : memref<10x!tpu.dma_semaphore, #tpu.memory_space<semaphore_mem>> -> memref<1x!tpu.dma_semaphore, #tpu.memory_space<semaphore_mem>>
      %dma_wait3A_526 = tpu.memref_squeeze %dma_wait3A_525 : memref<1x!tpu.dma_semaphore, #tpu.memory_space<semaphore_mem>> -> memref<!tpu.dma_semaphore, #tpu.memory_space<semaphore_mem>>
      tpu.wait_indirect_dma semaphore(%dma_wait3A_526 : memref<!tpu.dma_semaphore, #tpu.memory_space<semaphore_mem>>) src(%dma_wait3A_524 : memref<1000000x64xf32, #tpu.memory_space<hbm>>) dst(%dma_wait3A_518 : memref<128x64xf32, #tpu.memory_space<vmem>>)
      %dma_start3A_527 = arith.constant 4 : i32
      %dma_start3A_528 = arith.constant 4 : i32
      %dma_start3A_529 = arith.constant 0 : i32
      %dma_start3A_530 = arith.constant 0 : i32
      %dma_start3A_531 = tpu.memref_slice %arg6[%dma_start3A_527, %dma_start3A_529, %dma_start3A_530] : memref<10x128x64xf32, #tpu.memory_space<vmem>> -> memref<1x128x64xf32, #tpu.memory_space<vmem>>
      %dma_start3A_532 = tpu.memref_squeeze %dma_start3A_531 : memref<1x128x64xf32, #tpu.memory_space<vmem>> -> memref<128x64xf32, #tpu.memory_space<vmem>>
      %dma_start3A_533 = arith.constant 0 : i32
      %dma_start3A_534 = arith.constant 0 : i32
      %dma_start3A_535 = tpu.memref_slice %arg4[%add3A, %add3A_512, %dma_start3A_533, %dma_start3A_534] : memref<32x200x128x64xf32, #tpu.memory_space<hbm>> -> memref<1x1x128x64xf32, #tpu.memory_space<hbm>>
      %dma_start3A_536 = tpu.memref_squeeze %dma_start3A_535 : memref<1x1x128x64xf32, #tpu.memory_space<hbm>> -> memref<128x64xf32, #tpu.memory_space<hbm>>
      %dma_start3A_537 = tpu.memref_slice %arg8[%dma_start3A_528] : memref<10x!tpu.dma_semaphore, #tpu.memory_space<semaphore_mem>> -> memref<1x!tpu.dma_semaphore, #tpu.memory_space<semaphore_mem>>
      %dma_start3A_538 = tpu.memref_squeeze %dma_start3A_537 : memref<1x!tpu.dma_semaphore, #tpu.memory_space<semaphore_mem>> -> memref<!tpu.dma_semaphore, #tpu.memory_space<semaphore_mem>>
      %dma_start3A_539 = arith.constant 0 : i32
      %dma_start3A_540 = arith.constant 0 : i32
      %dma_start3A_541 = tpu.memref_slice %arg4[%add3A, %add3A_512, %dma_start3A_539, %dma_start3A_540] : memref<32x200x128x64xf32, #tpu.memory_space<hbm>> -> memref<1x1x128x64xf32, #tpu.memory_space<hbm>>
      %dma_start3A_542 = tpu.memref_squeeze %dma_start3A_541 : memref<1x1x128x64xf32, #tpu.memory_space<hbm>> -> memref<128x64xf32, #tpu.memory_space<hbm>>
      %dma_start3A_543 = arith.constant 0 : i32
      %dma_start3A_544 = arith.constant 0 : i32
      %dma_start3A_545 = tpu.memref_slice %arg6[%dma_start3A_527, %dma_start3A_543, %dma_start3A_544] : memref<10x128x64xf32, #tpu.memory_space<vmem>> -> memref<1x128x64xf32, #tpu.memory_space<vmem>>
      %dma_start3A_546 = tpu.memref_squeeze %dma_start3A_545 : memref<1x128x64xf32, #tpu.memory_space<vmem>> -> memref<128x64xf32, #tpu.memory_space<vmem>>
      tpu.enqueue_dma source(%dma_start3A_546 : memref<128x64xf32, #tpu.memory_space<vmem>>) target(%dma_start3A_542 : memref<128x64xf32, #tpu.memory_space<hbm>>) target_semaphore(%dma_start3A_538 : memref<!tpu.dma_semaphore, #tpu.memory_space<semaphore_mem>>)
      %add3A_547 = arith.constant 5 : i32
      %add3A_548 = arith.addi %mul3A_366, %add3A_547 : i32
      %dma_wait3A_549 = arith.constant 5 : i32
      %dma_wait3A_550 = arith.constant 5 : i32
      %dma_wait3A_551 = arith.constant 0 : i32
      %dma_wait3A_552 = arith.constant 0 : i32
      %dma_wait3A_553 = tpu.memref_slice %arg6[%dma_wait3A_549, %dma_wait3A_551, %dma_wait3A_552] : memref<10x128x64xf32, #tpu.memory_space<vmem>> -> memref<1x128x64xf32, #tpu.memory_space<vmem>>
      %dma_wait3A_554 = tpu.memref_squeeze %dma_wait3A_553 : memref<1x128x64xf32, #tpu.memory_space<vmem>> -> memref<128x64xf32, #tpu.memory_space<vmem>>
      %dma_wait3A_555 = arith.constant 0 : i32
      %dma_wait3A_556 = tpu.memref_slice %arg5[%add3A_548, %dma_wait3A_555] : memref<200x128xi32, #tpu.memory_space<vmem>> -> memref<1x128xi32, #tpu.memory_space<vmem>>
      %dma_wait3A_557 = tpu.memref_squeeze %dma_wait3A_556 : memref<1x128xi32, #tpu.memory_space<vmem>> -> memref<128xi32, #tpu.memory_space<vmem>>
      %dma_wait3A_558 = arith.constant 0 : i32
      %dma_wait3A_559 = arith.constant 0 : i32
      %dma_wait3A_560 = tpu.memref_slice %arg3[%dma_wait3A_558, %dma_wait3A_559] : memref<1000000x64xf32, #tpu.memory_space<hbm>> -> memref<1000000x64xf32, #tpu.memory_space<hbm>>
      %dma_wait3A_561 = tpu.memref_slice %arg7[%dma_wait3A_550] : memref<10x!tpu.dma_semaphore, #tpu.memory_space<semaphore_mem>> -> memref<1x!tpu.dma_semaphore, #tpu.memory_space<semaphore_mem>>
      %dma_wait3A_562 = tpu.memref_squeeze %dma_wait3A_561 : memref<1x!tpu.dma_semaphore, #tpu.memory_space<semaphore_mem>> -> memref<!tpu.dma_semaphore, #tpu.memory_space<semaphore_mem>>
      tpu.wait_indirect_dma semaphore(%dma_wait3A_562 : memref<!tpu.dma_semaphore, #tpu.memory_space<semaphore_mem>>) src(%dma_wait3A_560 : memref<1000000x64xf32, #tpu.memory_space<hbm>>) dst(%dma_wait3A_554 : memref<128x64xf32, #tpu.memory_space<vmem>>)
      %dma_start3A_563 = arith.constant 5 : i32
      %dma_start3A_564 = arith.constant 5 : i32
      %dma_start3A_565 = arith.constant 0 : i32
      %dma_start3A_566 = arith.constant 0 : i32
      %dma_start3A_567 = tpu.memref_slice %arg6[%dma_start3A_563, %dma_start3A_565, %dma_start3A_566] : memref<10x128x64xf32, #tpu.memory_space<vmem>> -> memref<1x128x64xf32, #tpu.memory_space<vmem>>
      %dma_start3A_568 = tpu.memref_squeeze %dma_start3A_567 : memref<1x128x64xf32, #tpu.memory_space<vmem>> -> memref<128x64xf32, #tpu.memory_space<vmem>>
      %dma_start3A_569 = arith.constant 0 : i32
      %dma_start3A_570 = arith.constant 0 : i32
      %dma_start3A_571 = tpu.memref_slice %arg4[%add3A, %add3A_548, %dma_start3A_569, %dma_start3A_570] : memref<32x200x128x64xf32, #tpu.memory_space<hbm>> -> memref<1x1x128x64xf32, #tpu.memory_space<hbm>>
      %dma_start3A_572 = tpu.memref_squeeze %dma_start3A_571 : memref<1x1x128x64xf32, #tpu.memory_space<hbm>> -> memref<128x64xf32, #tpu.memory_space<hbm>>
      %dma_start3A_573 = tpu.memref_slice %arg8[%dma_start3A_564] : memref<10x!tpu.dma_semaphore, #tpu.memory_space<semaphore_mem>> -> memref<1x!tpu.dma_semaphore, #tpu.memory_space<semaphore_mem>>
      %dma_start3A_574 = tpu.memref_squeeze %dma_start3A_573 : memref<1x!tpu.dma_semaphore, #tpu.memory_space<semaphore_mem>> -> memref<!tpu.dma_semaphore, #tpu.memory_space<semaphore_mem>>
      %dma_start3A_575 = arith.constant 0 : i32
      %dma_start3A_576 = arith.constant 0 : i32
      %dma_start3A_577 = tpu.memref_slice %arg4[%add3A, %add3A_548, %dma_start3A_575, %dma_start3A_576] : memref<32x200x128x64xf32, #tpu.memory_space<hbm>> -> memref<1x1x128x64xf32, #tpu.memory_space<hbm>>
      %dma_start3A_578 = tpu.memref_squeeze %dma_start3A_577 : memref<1x1x128x64xf32, #tpu.memory_space<hbm>> -> memref<128x64xf32, #tpu.memory_space<hbm>>
      %dma_start3A_579 = arith.constant 0 : i32
      %dma_start3A_580 = arith.constant 0 : i32
      %dma_start3A_581 = tpu.memref_slice %arg6[%dma_start3A_563, %dma_start3A_579, %dma_start3A_580] : memref<10x128x64xf32, #tpu.memory_space<vmem>> -> memref<1x128x64xf32, #tpu.memory_space<vmem>>
      %dma_start3A_582 = tpu.memref_squeeze %dma_start3A_581 : memref<1x128x64xf32, #tpu.memory_space<vmem>> -> memref<128x64xf32, #tpu.memory_space<vmem>>
      tpu.enqueue_dma source(%dma_start3A_582 : memref<128x64xf32, #tpu.memory_space<vmem>>) target(%dma_start3A_578 : memref<128x64xf32, #tpu.memory_space<hbm>>) target_semaphore(%dma_start3A_574 : memref<!tpu.dma_semaphore, #tpu.memory_space<semaphore_mem>>)
      %add3A_583 = arith.constant 6 : i32
      %add3A_584 = arith.addi %mul3A_366, %add3A_583 : i32
      %dma_wait3A_585 = arith.constant 6 : i32
      %dma_wait3A_586 = arith.constant 6 : i32
      %dma_wait3A_587 = arith.constant 0 : i32
      %dma_wait3A_588 = arith.constant 0 : i32
      %dma_wait3A_589 = tpu.memref_slice %arg6[%dma_wait3A_585, %dma_wait3A_587, %dma_wait3A_588] : memref<10x128x64xf32, #tpu.memory_space<vmem>> -> memref<1x128x64xf32, #tpu.memory_space<vmem>>
      %dma_wait3A_590 = tpu.memref_squeeze %dma_wait3A_589 : memref<1x128x64xf32, #tpu.memory_space<vmem>> -> memref<128x64xf32, #tpu.memory_space<vmem>>
      %dma_wait3A_591 = arith.constant 0 : i32
      %dma_wait3A_592 = tpu.memref_slice %arg5[%add3A_584, %dma_wait3A_591] : memref<200x128xi32, #tpu.memory_space<vmem>> -> memref<1x128xi32, #tpu.memory_space<vmem>>
      %dma_wait3A_593 = tpu.memref_squeeze %dma_wait3A_592 : memref<1x128xi32, #tpu.memory_space<vmem>> -> memref<128xi32, #tpu.memory_space<vmem>>
      %dma_wait3A_594 = arith.constant 0 : i32
      %dma_wait3A_595 = arith.constant 0 : i32
      %dma_wait3A_596 = tpu.memref_slice %arg3[%dma_wait3A_594, %dma_wait3A_595] : memref<1000000x64xf32, #tpu.memory_space<hbm>> -> memref<1000000x64xf32, #tpu.memory_space<hbm>>
      %dma_wait3A_597 = tpu.memref_slice %arg7[%dma_wait3A_586] : memref<10x!tpu.dma_semaphore, #tpu.memory_space<semaphore_mem>> -> memref<1x!tpu.dma_semaphore, #tpu.memory_space<semaphore_mem>>
      %dma_wait3A_598 = tpu.memref_squeeze %dma_wait3A_597 : memref<1x!tpu.dma_semaphore, #tpu.memory_space<semaphore_mem>> -> memref<!tpu.dma_semaphore, #tpu.memory_space<semaphore_mem>>
      tpu.wait_indirect_dma semaphore(%dma_wait3A_598 : memref<!tpu.dma_semaphore, #tpu.memory_space<semaphore_mem>>) src(%dma_wait3A_596 : memref<1000000x64xf32, #tpu.memory_space<hbm>>) dst(%dma_wait3A_590 : memref<128x64xf32, #tpu.memory_space<vmem>>)
      %dma_start3A_599 = arith.constant 6 : i32
      %dma_start3A_600 = arith.constant 6 : i32
      %dma_start3A_601 = arith.constant 0 : i32
      %dma_start3A_602 = arith.constant 0 : i32
      %dma_start3A_603 = tpu.memref_slice %arg6[%dma_start3A_599, %dma_start3A_601, %dma_start3A_602] : memref<10x128x64xf32, #tpu.memory_space<vmem>> -> memref<1x128x64xf32, #tpu.memory_space<vmem>>
      %dma_start3A_604 = tpu.memref_squeeze %dma_start3A_603 : memref<1x128x64xf32, #tpu.memory_space<vmem>> -> memref<128x64xf32, #tpu.memory_space<vmem>>
      %dma_start3A_605 = arith.constant 0 : i32
      %dma_start3A_606 = arith.constant 0 : i32
      %dma_start3A_607 = tpu.memref_slice %arg4[%add3A, %add3A_584, %dma_start3A_605, %dma_start3A_606] : memref<32x200x128x64xf32, #tpu.memory_space<hbm>> -> memref<1x1x128x64xf32, #tpu.memory_space<hbm>>
      %dma_start3A_608 = tpu.memref_squeeze %dma_start3A_607 : memref<1x1x128x64xf32, #tpu.memory_space<hbm>> -> memref<128x64xf32, #tpu.memory_space<hbm>>
      %dma_start3A_609 = tpu.memref_slice %arg8[%dma_start3A_600] : memref<10x!tpu.dma_semaphore, #tpu.memory_space<semaphore_mem>> -> memref<1x!tpu.dma_semaphore, #tpu.memory_space<semaphore_mem>>
      %dma_start3A_610 = tpu.memref_squeeze %dma_start3A_609 : memref<1x!tpu.dma_semaphore, #tpu.memory_space<semaphore_mem>> -> memref<!tpu.dma_semaphore, #tpu.memory_space<semaphore_mem>>
      %dma_start3A_611 = arith.constant 0 : i32
      %dma_start3A_612 = arith.constant 0 : i32
      %dma_start3A_613 = tpu.memref_slice %arg4[%add3A, %add3A_584, %dma_start3A_611, %dma_start3A_612] : memref<32x200x128x64xf32, #tpu.memory_space<hbm>> -> memref<1x1x128x64xf32, #tpu.memory_space<hbm>>
      %dma_start3A_614 = tpu.memref_squeeze %dma_start3A_613 : memref<1x1x128x64xf32, #tpu.memory_space<hbm>> -> memref<128x64xf32, #tpu.memory_space<hbm>>
      %dma_start3A_615 = arith.constant 0 : i32
      %dma_start3A_616 = arith.constant 0 : i32
      %dma_start3A_617 = tpu.memref_slice %arg6[%dma_start3A_599, %dma_start3A_615, %dma_start3A_616] : memref<10x128x64xf32, #tpu.memory_space<vmem>> -> memref<1x128x64xf32, #tpu.memory_space<vmem>>
      %dma_start3A_618 = tpu.memref_squeeze %dma_start3A_617 : memref<1x128x64xf32, #tpu.memory_space<vmem>> -> memref<128x64xf32, #tpu.memory_space<vmem>>
      tpu.enqueue_dma source(%dma_start3A_618 : memref<128x64xf32, #tpu.memory_space<vmem>>) target(%dma_start3A_614 : memref<128x64xf32, #tpu.memory_space<hbm>>) target_semaphore(%dma_start3A_610 : memref<!tpu.dma_semaphore, #tpu.memory_space<semaphore_mem>>)
      %add3A_619 = arith.constant 7 : i32
      %add3A_620 = arith.addi %mul3A_366, %add3A_619 : i32
      %dma_wait3A_621 = arith.constant 7 : i32
      %dma_wait3A_622 = arith.constant 7 : i32
      %dma_wait3A_623 = arith.constant 0 : i32
      %dma_wait3A_624 = arith.constant 0 : i32
      %dma_wait3A_625 = tpu.memref_slice %arg6[%dma_wait3A_621, %dma_wait3A_623, %dma_wait3A_624] : memref<10x128x64xf32, #tpu.memory_space<vmem>> -> memref<1x128x64xf32, #tpu.memory_space<vmem>>
      %dma_wait3A_626 = tpu.memref_squeeze %dma_wait3A_625 : memref<1x128x64xf32, #tpu.memory_space<vmem>> -> memref<128x64xf32, #tpu.memory_space<vmem>>
      %dma_wait3A_627 = arith.constant 0 : i32
      %dma_wait3A_628 = tpu.memref_slice %arg5[%add3A_620, %dma_wait3A_627] : memref<200x128xi32, #tpu.memory_space<vmem>> -> memref<1x128xi32, #tpu.memory_space<vmem>>
      %dma_wait3A_629 = tpu.memref_squeeze %dma_wait3A_628 : memref<1x128xi32, #tpu.memory_space<vmem>> -> memref<128xi32, #tpu.memory_space<vmem>>
      %dma_wait3A_630 = arith.constant 0 : i32
      %dma_wait3A_631 = arith.constant 0 : i32
      %dma_wait3A_632 = tpu.memref_slice %arg3[%dma_wait3A_630, %dma_wait3A_631] : memref<1000000x64xf32, #tpu.memory_space<hbm>> -> memref<1000000x64xf32, #tpu.memory_space<hbm>>
      %dma_wait3A_633 = tpu.memref_slice %arg7[%dma_wait3A_622] : memref<10x!tpu.dma_semaphore, #tpu.memory_space<semaphore_mem>> -> memref<1x!tpu.dma_semaphore, #tpu.memory_space<semaphore_mem>>
      %dma_wait3A_634 = tpu.memref_squeeze %dma_wait3A_633 : memref<1x!tpu.dma_semaphore, #tpu.memory_space<semaphore_mem>> -> memref<!tpu.dma_semaphore, #tpu.memory_space<semaphore_mem>>
      tpu.wait_indirect_dma semaphore(%dma_wait3A_634 : memref<!tpu.dma_semaphore, #tpu.memory_space<semaphore_mem>>) src(%dma_wait3A_632 : memref<1000000x64xf32, #tpu.memory_space<hbm>>) dst(%dma_wait3A_626 : memref<128x64xf32, #tpu.memory_space<vmem>>)
      %dma_start3A_635 = arith.constant 7 : i32
      %dma_start3A_636 = arith.constant 7 : i32
      %dma_start3A_637 = arith.constant 0 : i32
      %dma_start3A_638 = arith.constant 0 : i32
      %dma_start3A_639 = tpu.memref_slice %arg6[%dma_start3A_635, %dma_start3A_637, %dma_start3A_638] : memref<10x128x64xf32, #tpu.memory_space<vmem>> -> memref<1x128x64xf32, #tpu.memory_space<vmem>>
      %dma_start3A_640 = tpu.memref_squeeze %dma_start3A_639 : memref<1x128x64xf32, #tpu.memory_space<vmem>> -> memref<128x64xf32, #tpu.memory_space<vmem>>
      %dma_start3A_641 = arith.constant 0 : i32
      %dma_start3A_642 = arith.constant 0 : i32
      %dma_start3A_643 = tpu.memref_slice %arg4[%add3A, %add3A_620, %dma_start3A_641, %dma_start3A_642] : memref<32x200x128x64xf32, #tpu.memory_space<hbm>> -> memref<1x1x128x64xf32, #tpu.memory_space<hbm>>
      %dma_start3A_644 = tpu.memref_squeeze %dma_start3A_643 : memref<1x1x128x64xf32, #tpu.memory_space<hbm>> -> memref<128x64xf32, #tpu.memory_space<hbm>>
      %dma_start3A_645 = tpu.memref_slice %arg8[%dma_start3A_636] : memref<10x!tpu.dma_semaphore, #tpu.memory_space<semaphore_mem>> -> memref<1x!tpu.dma_semaphore, #tpu.memory_space<semaphore_mem>>
      %dma_start3A_646 = tpu.memref_squeeze %dma_start3A_645 : memref<1x!tpu.dma_semaphore, #tpu.memory_space<semaphore_mem>> -> memref<!tpu.dma_semaphore, #tpu.memory_space<semaphore_mem>>
      %dma_start3A_647 = arith.constant 0 : i32
      %dma_start3A_648 = arith.constant 0 : i32
      %dma_start3A_649 = tpu.memref_slice %arg4[%add3A, %add3A_620, %dma_start3A_647, %dma_start3A_648] : memref<32x200x128x64xf32, #tpu.memory_space<hbm>> -> memref<1x1x128x64xf32, #tpu.memory_space<hbm>>
      %dma_start3A_650 = tpu.memref_squeeze %dma_start3A_649 : memref<1x1x128x64xf32, #tpu.memory_space<hbm>> -> memref<128x64xf32, #tpu.memory_space<hbm>>
      %dma_start3A_651 = arith.constant 0 : i32
      %dma_start3A_652 = arith.constant 0 : i32
      %dma_start3A_653 = tpu.memref_slice %arg6[%dma_start3A_635, %dma_start3A_651, %dma_start3A_652] : memref<10x128x64xf32, #tpu.memory_space<vmem>> -> memref<1x128x64xf32, #tpu.memory_space<vmem>>
      %dma_start3A_654 = tpu.memref_squeeze %dma_start3A_653 : memref<1x128x64xf32, #tpu.memory_space<vmem>> -> memref<128x64xf32, #tpu.memory_space<vmem>>
      tpu.enqueue_dma source(%dma_start3A_654 : memref<128x64xf32, #tpu.memory_space<vmem>>) target(%dma_start3A_650 : memref<128x64xf32, #tpu.memory_space<hbm>>) target_semaphore(%dma_start3A_646 : memref<!tpu.dma_semaphore, #tpu.memory_space<semaphore_mem>>)
      %add3A_655 = arith.constant 8 : i32
      %add3A_656 = arith.addi %mul3A_366, %add3A_655 : i32
      %dma_wait3A_657 = arith.constant 8 : i32
      %dma_wait3A_658 = arith.constant 8 : i32
      %dma_wait3A_659 = arith.constant 0 : i32
      %dma_wait3A_660 = arith.constant 0 : i32
      %dma_wait3A_661 = tpu.memref_slice %arg6[%dma_wait3A_657, %dma_wait3A_659, %dma_wait3A_660] : memref<10x128x64xf32, #tpu.memory_space<vmem>> -> memref<1x128x64xf32, #tpu.memory_space<vmem>>
      %dma_wait3A_662 = tpu.memref_squeeze %dma_wait3A_661 : memref<1x128x64xf32, #tpu.memory_space<vmem>> -> memref<128x64xf32, #tpu.memory_space<vmem>>
      %dma_wait3A_663 = arith.constant 0 : i32
      %dma_wait3A_664 = tpu.memref_slice %arg5[%add3A_656, %dma_wait3A_663] : memref<200x128xi32, #tpu.memory_space<vmem>> -> memref<1x128xi32, #tpu.memory_space<vmem>>
      %dma_wait3A_665 = tpu.memref_squeeze %dma_wait3A_664 : memref<1x128xi32, #tpu.memory_space<vmem>> -> memref<128xi32, #tpu.memory_space<vmem>>
      %dma_wait3A_666 = arith.constant 0 : i32
      %dma_wait3A_667 = arith.constant 0 : i32
      %dma_wait3A_668 = tpu.memref_slice %arg3[%dma_wait3A_666, %dma_wait3A_667] : memref<1000000x64xf32, #tpu.memory_space<hbm>> -> memref<1000000x64xf32, #tpu.memory_space<hbm>>
      %dma_wait3A_669 = tpu.memref_slice %arg7[%dma_wait3A_658] : memref<10x!tpu.dma_semaphore, #tpu.memory_space<semaphore_mem>> -> memref<1x!tpu.dma_semaphore, #tpu.memory_space<semaphore_mem>>
      %dma_wait3A_670 = tpu.memref_squeeze %dma_wait3A_669 : memref<1x!tpu.dma_semaphore, #tpu.memory_space<semaphore_mem>> -> memref<!tpu.dma_semaphore, #tpu.memory_space<semaphore_mem>>
      tpu.wait_indirect_dma semaphore(%dma_wait3A_670 : memref<!tpu.dma_semaphore, #tpu.memory_space<semaphore_mem>>) src(%dma_wait3A_668 : memref<1000000x64xf32, #tpu.memory_space<hbm>>) dst(%dma_wait3A_662 : memref<128x64xf32, #tpu.memory_space<vmem>>)
      %dma_start3A_671 = arith.constant 8 : i32
      %dma_start3A_672 = arith.constant 8 : i32
      %dma_start3A_673 = arith.constant 0 : i32
      %dma_start3A_674 = arith.constant 0 : i32
      %dma_start3A_675 = tpu.memref_slice %arg6[%dma_start3A_671, %dma_start3A_673, %dma_start3A_674] : memref<10x128x64xf32, #tpu.memory_space<vmem>> -> memref<1x128x64xf32, #tpu.memory_space<vmem>>
      %dma_start3A_676 = tpu.memref_squeeze %dma_start3A_675 : memref<1x128x64xf32, #tpu.memory_space<vmem>> -> memref<128x64xf32, #tpu.memory_space<vmem>>
      %dma_start3A_677 = arith.constant 0 : i32
      %dma_start3A_678 = arith.constant 0 : i32
      %dma_start3A_679 = tpu.memref_slice %arg4[%add3A, %add3A_656, %dma_start3A_677, %dma_start3A_678] : memref<32x200x128x64xf32, #tpu.memory_space<hbm>> -> memref<1x1x128x64xf32, #tpu.memory_space<hbm>>
      %dma_start3A_680 = tpu.memref_squeeze %dma_start3A_679 : memref<1x1x128x64xf32, #tpu.memory_space<hbm>> -> memref<128x64xf32, #tpu.memory_space<hbm>>
      %dma_start3A_681 = tpu.memref_slice %arg8[%dma_start3A_672] : memref<10x!tpu.dma_semaphore, #tpu.memory_space<semaphore_mem>> -> memref<1x!tpu.dma_semaphore, #tpu.memory_space<semaphore_mem>>
      %dma_start3A_682 = tpu.memref_squeeze %dma_start3A_681 : memref<1x!tpu.dma_semaphore, #tpu.memory_space<semaphore_mem>> -> memref<!tpu.dma_semaphore, #tpu.memory_space<semaphore_mem>>
      %dma_start3A_683 = arith.constant 0 : i32
      %dma_start3A_684 = arith.constant 0 : i32
      %dma_start3A_685 = tpu.memref_slice %arg4[%add3A, %add3A_656, %dma_start3A_683, %dma_start3A_684] : memref<32x200x128x64xf32, #tpu.memory_space<hbm>> -> memref<1x1x128x64xf32, #tpu.memory_space<hbm>>
      %dma_start3A_686 = tpu.memref_squeeze %dma_start3A_685 : memref<1x1x128x64xf32, #tpu.memory_space<hbm>> -> memref<128x64xf32, #tpu.memory_space<hbm>>
      %dma_start3A_687 = arith.constant 0 : i32
      %dma_start3A_688 = arith.constant 0 : i32
      %dma_start3A_689 = tpu.memref_slice %arg6[%dma_start3A_671, %dma_start3A_687, %dma_start3A_688] : memref<10x128x64xf32, #tpu.memory_space<vmem>> -> memref<1x128x64xf32, #tpu.memory_space<vmem>>
      %dma_start3A_690 = tpu.memref_squeeze %dma_start3A_689 : memref<1x128x64xf32, #tpu.memory_space<vmem>> -> memref<128x64xf32, #tpu.memory_space<vmem>>
      tpu.enqueue_dma source(%dma_start3A_690 : memref<128x64xf32, #tpu.memory_space<vmem>>) target(%dma_start3A_686 : memref<128x64xf32, #tpu.memory_space<hbm>>) target_semaphore(%dma_start3A_682 : memref<!tpu.dma_semaphore, #tpu.memory_space<semaphore_mem>>)
      %add3A_691 = arith.constant 9 : i32
      %add3A_692 = arith.addi %mul3A_366, %add3A_691 : i32
      %dma_wait3A_693 = arith.constant 9 : i32
      %dma_wait3A_694 = arith.constant 9 : i32
      %dma_wait3A_695 = arith.constant 0 : i32
      %dma_wait3A_696 = arith.constant 0 : i32
      %dma_wait3A_697 = tpu.memref_slice %arg6[%dma_wait3A_693, %dma_wait3A_695, %dma_wait3A_696] : memref<10x128x64xf32, #tpu.memory_space<vmem>> -> memref<1x128x64xf32, #tpu.memory_space<vmem>>
      %dma_wait3A_698 = tpu.memref_squeeze %dma_wait3A_697 : memref<1x128x64xf32, #tpu.memory_space<vmem>> -> memref<128x64xf32, #tpu.memory_space<vmem>>
      %dma_wait3A_699 = arith.constant 0 : i32
      %dma_wait3A_700 = tpu.memref_slice %arg5[%add3A_692, %dma_wait3A_699] : memref<200x128xi32, #tpu.memory_space<vmem>> -> memref<1x128xi32, #tpu.memory_space<vmem>>
      %dma_wait3A_701 = tpu.memref_squeeze %dma_wait3A_700 : memref<1x128xi32, #tpu.memory_space<vmem>> -> memref<128xi32, #tpu.memory_space<vmem>>
      %dma_wait3A_702 = arith.constant 0 : i32
      %dma_wait3A_703 = arith.constant 0 : i32
      %dma_wait3A_704 = tpu.memref_slice %arg3[%dma_wait3A_702, %dma_wait3A_703] : memref<1000000x64xf32, #tpu.memory_space<hbm>> -> memref<1000000x64xf32, #tpu.memory_space<hbm>>
      %dma_wait3A_705 = tpu.memref_slice %arg7[%dma_wait3A_694] : memref<10x!tpu.dma_semaphore, #tpu.memory_space<semaphore_mem>> -> memref<1x!tpu.dma_semaphore, #tpu.memory_space<semaphore_mem>>
      %dma_wait3A_706 = tpu.memref_squeeze %dma_wait3A_705 : memref<1x!tpu.dma_semaphore, #tpu.memory_space<semaphore_mem>> -> memref<!tpu.dma_semaphore, #tpu.memory_space<semaphore_mem>>
      tpu.wait_indirect_dma semaphore(%dma_wait3A_706 : memref<!tpu.dma_semaphore, #tpu.memory_space<semaphore_mem>>) src(%dma_wait3A_704 : memref<1000000x64xf32, #tpu.memory_space<hbm>>) dst(%dma_wait3A_698 : memref<128x64xf32, #tpu.memory_space<vmem>>)
      %dma_start3A_707 = arith.constant 9 : i32
      %dma_start3A_708 = arith.constant 9 : i32
      %dma_start3A_709 = arith.constant 0 : i32
      %dma_start3A_710 = arith.constant 0 : i32
      %dma_start3A_711 = tpu.memref_slice %arg6[%dma_start3A_707, %dma_start3A_709, %dma_start3A_710] : memref<10x128x64xf32, #tpu.memory_space<vmem>> -> memref<1x128x64xf32, #tpu.memory_space<vmem>>
      %dma_start3A_712 = tpu.memref_squeeze %dma_start3A_711 : memref<1x128x64xf32, #tpu.memory_space<vmem>> -> memref<128x64xf32, #tpu.memory_space<vmem>>
      %dma_start3A_713 = arith.constant 0 : i32
      %dma_start3A_714 = arith.constant 0 : i32
      %dma_start3A_715 = tpu.memref_slice %arg4[%add3A, %add3A_692, %dma_start3A_713, %dma_start3A_714] : memref<32x200x128x64xf32, #tpu.memory_space<hbm>> -> memref<1x1x128x64xf32, #tpu.memory_space<hbm>>
      %dma_start3A_716 = tpu.memref_squeeze %dma_start3A_715 : memref<1x1x128x64xf32, #tpu.memory_space<hbm>> -> memref<128x64xf32, #tpu.memory_space<hbm>>
      %dma_start3A_717 = tpu.memref_slice %arg8[%dma_start3A_708] : memref<10x!tpu.dma_semaphore, #tpu.memory_space<semaphore_mem>> -> memref<1x!tpu.dma_semaphore, #tpu.memory_space<semaphore_mem>>
      %dma_start3A_718 = tpu.memref_squeeze %dma_start3A_717 : memref<1x!tpu.dma_semaphore, #tpu.memory_space<semaphore_mem>> -> memref<!tpu.dma_semaphore, #tpu.memory_space<semaphore_mem>>
      %dma_start3A_719 = arith.constant 0 : i32
      %dma_start3A_720 = arith.constant 0 : i32
      %dma_start3A_721 = tpu.memref_slice %arg4[%add3A, %add3A_692, %dma_start3A_719, %dma_start3A_720] : memref<32x200x128x64xf32, #tpu.memory_space<hbm>> -> memref<1x1x128x64xf32, #tpu.memory_space<hbm>>
      %dma_start3A_722 = tpu.memref_squeeze %dma_start3A_721 : memref<1x1x128x64xf32, #tpu.memory_space<hbm>> -> memref<128x64xf32, #tpu.memory_space<hbm>>
      %dma_start3A_723 = arith.constant 0 : i32
      %dma_start3A_724 = arith.constant 0 : i32
      %dma_start3A_725 = tpu.memref_slice %arg6[%dma_start3A_707, %dma_start3A_723, %dma_start3A_724] : memref<10x128x64xf32, #tpu.memory_space<vmem>> -> memref<1x128x64xf32, #tpu.memory_space<vmem>>
      %dma_start3A_726 = tpu.memref_squeeze %dma_start3A_725 : memref<1x128x64xf32, #tpu.memory_space<vmem>> -> memref<128x64xf32, #tpu.memory_space<vmem>>
      tpu.enqueue_dma source(%dma_start3A_726 : memref<128x64xf32, #tpu.memory_space<vmem>>) target(%dma_start3A_722 : memref<128x64xf32, #tpu.memory_space<hbm>>) target_semaphore(%dma_start3A_718 : memref<!tpu.dma_semaphore, #tpu.memory_space<semaphore_mem>>)
      %add3A_727 = arith.constant 10 : i32
      %add3A_728 = arith.addi %mul3A_366, %add3A_727 : i32
      %add3A_729 = arith.constant 0 : i32
      %add3A_730 = arith.addi %add3A_728, %add3A_729 : i32
      %lt3A = arith.constant 200 : i32
      %lt3A_731 = arith.cmpi slt, %add3A_730, %lt3A : i32
      %convert_element_type3A = arith.extui %lt3A_731 : i1 to i32
      %cond3A = arith.constant 0 : i32
      %cond3A_732 = arith.cmpi ne, %convert_element_type3A, %cond3A : i32
      scf.if %cond3A_732 {
        %add3A_814 = arith.constant 0 : i32
        %add3A_815 = arith.addi %mul3A_366, %add3A_814 : i32
        %dma_wait3A_816 = arith.constant 0 : i32
        %dma_wait3A_817 = arith.constant 0 : i32
        %dma_wait3A_818 = arith.constant 0 : i32
        %dma_wait3A_819 = arith.constant 0 : i32
        %dma_wait3A_820 = tpu.memref_slice %arg6[%dma_wait3A_816, %dma_wait3A_818, %dma_wait3A_819] : memref<10x128x64xf32, #tpu.memory_space<vmem>> -> memref<1x128x64xf32, #tpu.memory_space<vmem>>
        %dma_wait3A_821 = tpu.memref_squeeze %dma_wait3A_820 : memref<1x128x64xf32, #tpu.memory_space<vmem>> -> memref<128x64xf32, #tpu.memory_space<vmem>>
        %dma_wait3A_822 = arith.constant 0 : i32
        %dma_wait3A_823 = arith.constant 0 : i32
        %dma_wait3A_824 = tpu.memref_slice %arg4[%add3A, %add3A_815, %dma_wait3A_822, %dma_wait3A_823] : memref<32x200x128x64xf32, #tpu.memory_space<hbm>> -> memref<1x1x128x64xf32, #tpu.memory_space<hbm>>
        %dma_wait3A_825 = tpu.memref_squeeze %dma_wait3A_824 : memref<1x1x128x64xf32, #tpu.memory_space<hbm>> -> memref<128x64xf32, #tpu.memory_space<hbm>>
        %dma_wait3A_826 = tpu.memref_slice %arg8[%dma_wait3A_817] : memref<10x!tpu.dma_semaphore, #tpu.memory_space<semaphore_mem>> -> memref<1x!tpu.dma_semaphore, #tpu.memory_space<semaphore_mem>>
        %dma_wait3A_827 = tpu.memref_squeeze %dma_wait3A_826 : memref<1x!tpu.dma_semaphore, #tpu.memory_space<semaphore_mem>> -> memref<!tpu.dma_semaphore, #tpu.memory_space<semaphore_mem>>
        %dma_wait3A_828 = arith.constant 0 : i32
        %dma_wait3A_829 = arith.constant 0 : i32
        %dma_wait3A_830 = tpu.memref_slice %arg4[%add3A, %add3A_815, %dma_wait3A_828, %dma_wait3A_829] : memref<32x200x128x64xf32, #tpu.memory_space<hbm>> -> memref<1x1x128x64xf32, #tpu.memory_space<hbm>>
        %dma_wait3A_831 = tpu.memref_squeeze %dma_wait3A_830 : memref<1x1x128x64xf32, #tpu.memory_space<hbm>> -> memref<128x64xf32, #tpu.memory_space<hbm>>
        %dma_wait3A_832 = arith.constant 0 : i32
        %dma_wait3A_833 = arith.constant 0 : i32
        %dma_wait3A_834 = tpu.memref_slice %arg6[%dma_wait3A_816, %dma_wait3A_832, %dma_wait3A_833] : memref<10x128x64xf32, #tpu.memory_space<vmem>> -> memref<1x128x64xf32, #tpu.memory_space<vmem>>
        %dma_wait3A_835 = tpu.memref_squeeze %dma_wait3A_834 : memref<1x128x64xf32, #tpu.memory_space<vmem>> -> memref<128x64xf32, #tpu.memory_space<vmem>>
        tpu.wait_dma2 semaphore(%dma_wait3A_827 : memref<!tpu.dma_semaphore, #tpu.memory_space<semaphore_mem>>) src(%dma_wait3A_835 : memref<128x64xf32, #tpu.memory_space<vmem>>) dst(%dma_wait3A_831 : memref<128x64xf32, #tpu.memory_space<hbm>>)
        %dma_start3A_836 = arith.constant 0 : i32
        %dma_start3A_837 = arith.constant 0 : i32
        %dma_start3A_838 = arith.constant 0 : i32
        %dma_start3A_839 = arith.constant 0 : i32
        %dma_start3A_840 = tpu.memref_slice %arg6[%dma_start3A_836, %dma_start3A_838, %dma_start3A_839] : memref<10x128x64xf32, #tpu.memory_space<vmem>> -> memref<1x128x64xf32, #tpu.memory_space<vmem>>
        %dma_start3A_841 = tpu.memref_squeeze %dma_start3A_840 : memref<1x128x64xf32, #tpu.memory_space<vmem>> -> memref<128x64xf32, #tpu.memory_space<vmem>>
        %dma_start3A_842 = arith.constant 0 : i32
        %dma_start3A_843 = tpu.memref_slice %arg5[%add3A_730, %dma_start3A_842] : memref<200x128xi32, #tpu.memory_space<vmem>> -> memref<1x128xi32, #tpu.memory_space<vmem>>
        %dma_start3A_844 = tpu.memref_squeeze %dma_start3A_843 : memref<1x128xi32, #tpu.memory_space<vmem>> -> memref<128xi32, #tpu.memory_space<vmem>>
        %dma_start3A_845 = arith.constant 0 : i32
        %dma_start3A_846 = arith.constant 0 : i32
        %dma_start3A_847 = tpu.memref_slice %arg3[%dma_start3A_845, %dma_start3A_846] : memref<1000000x64xf32, #tpu.memory_space<hbm>> -> memref<1000000x64xf32, #tpu.memory_space<hbm>>
        %dma_start3A_848 = tpu.memref_slice %arg7[%dma_start3A_837] : memref<10x!tpu.dma_semaphore, #tpu.memory_space<semaphore_mem>> -> memref<1x!tpu.dma_semaphore, #tpu.memory_space<semaphore_mem>>
        %dma_start3A_849 = tpu.memref_squeeze %dma_start3A_848 : memref<1x!tpu.dma_semaphore, #tpu.memory_space<semaphore_mem>> -> memref<!tpu.dma_semaphore, #tpu.memory_space<semaphore_mem>>
        tpu.enqueue_indirect_dma source(%dma_start3A_847 : memref<1000000x64xf32, #tpu.memory_space<hbm>>) target(%dma_start3A_841 : memref<128x64xf32, #tpu.memory_space<vmem>>) offsets(%dma_start3A_844 : memref<128xi32, #tpu.memory_space<vmem>>) semaphore(%dma_start3A_849 : memref<!tpu.dma_semaphore, #tpu.memory_space<semaphore_mem>>)
      } else {
      }
      %add3A_733 = arith.constant 10 : i32
      %add3A_734 = arith.addi %mul3A_366, %add3A_733 : i32
      %add3A_735 = arith.constant 1 : i32
      %add3A_736 = arith.addi %add3A_734, %add3A_735 : i32
      %lt3A_737 = arith.constant 200 : i32
      %lt3A_738 = arith.cmpi slt, %add3A_736, %lt3A_737 : i32
      %convert_element_type3A_739 = arith.extui %lt3A_738 : i1 to i32
      %cond3A_740 = arith.constant 0 : i32
      %cond3A_741 = arith.cmpi ne, %convert_element_type3A_739, %cond3A_740 : i32
      scf.if %cond3A_741 {
        %add3A_814 = arith.constant 1 : i32
        %add3A_815 = arith.addi %mul3A_366, %add3A_814 : i32
        %dma_wait3A_816 = arith.constant 1 : i32
        %dma_wait3A_817 = arith.constant 1 : i32
        %dma_wait3A_818 = arith.constant 0 : i32
        %dma_wait3A_819 = arith.constant 0 : i32
        %dma_wait3A_820 = tpu.memref_slice %arg6[%dma_wait3A_816, %dma_wait3A_818, %dma_wait3A_819] : memref<10x128x64xf32, #tpu.memory_space<vmem>> -> memref<1x128x64xf32, #tpu.memory_space<vmem>>
        %dma_wait3A_821 = tpu.memref_squeeze %dma_wait3A_820 : memref<1x128x64xf32, #tpu.memory_space<vmem>> -> memref<128x64xf32, #tpu.memory_space<vmem>>
        %dma_wait3A_822 = arith.constant 0 : i32
        %dma_wait3A_823 = arith.constant 0 : i32
        %dma_wait3A_824 = tpu.memref_slice %arg4[%add3A, %add3A_815, %dma_wait3A_822, %dma_wait3A_823] : memref<32x200x128x64xf32, #tpu.memory_space<hbm>> -> memref<1x1x128x64xf32, #tpu.memory_space<hbm>>
        %dma_wait3A_825 = tpu.memref_squeeze %dma_wait3A_824 : memref<1x1x128x64xf32, #tpu.memory_space<hbm>> -> memref<128x64xf32, #tpu.memory_space<hbm>>
        %dma_wait3A_826 = tpu.memref_slice %arg8[%dma_wait3A_817] : memref<10x!tpu.dma_semaphore, #tpu.memory_space<semaphore_mem>> -> memref<1x!tpu.dma_semaphore, #tpu.memory_space<semaphore_mem>>
        %dma_wait3A_827 = tpu.memref_squeeze %dma_wait3A_826 : memref<1x!tpu.dma_semaphore, #tpu.memory_space<semaphore_mem>> -> memref<!tpu.dma_semaphore, #tpu.memory_space<semaphore_mem>>
        %dma_wait3A_828 = arith.constant 0 : i32
        %dma_wait3A_829 = arith.constant 0 : i32
        %dma_wait3A_830 = tpu.memref_slice %arg4[%add3A, %add3A_815, %dma_wait3A_828, %dma_wait3A_829] : memref<32x200x128x64xf32, #tpu.memory_space<hbm>> -> memref<1x1x128x64xf32, #tpu.memory_space<hbm>>
        %dma_wait3A_831 = tpu.memref_squeeze %dma_wait3A_830 : memref<1x1x128x64xf32, #tpu.memory_space<hbm>> -> memref<128x64xf32, #tpu.memory_space<hbm>>
        %dma_wait3A_832 = arith.constant 0 : i32
        %dma_wait3A_833 = arith.constant 0 : i32
        %dma_wait3A_834 = tpu.memref_slice %arg6[%dma_wait3A_816, %dma_wait3A_832, %dma_wait3A_833] : memref<10x128x64xf32, #tpu.memory_space<vmem>> -> memref<1x128x64xf32, #tpu.memory_space<vmem>>
        %dma_wait3A_835 = tpu.memref_squeeze %dma_wait3A_834 : memref<1x128x64xf32, #tpu.memory_space<vmem>> -> memref<128x64xf32, #tpu.memory_space<vmem>>
        tpu.wait_dma2 semaphore(%dma_wait3A_827 : memref<!tpu.dma_semaphore, #tpu.memory_space<semaphore_mem>>) src(%dma_wait3A_835 : memref<128x64xf32, #tpu.memory_space<vmem>>) dst(%dma_wait3A_831 : memref<128x64xf32, #tpu.memory_space<hbm>>)
        %dma_start3A_836 = arith.constant 1 : i32
        %dma_start3A_837 = arith.constant 1 : i32
        %dma_start3A_838 = arith.constant 0 : i32
        %dma_start3A_839 = arith.constant 0 : i32
        %dma_start3A_840 = tpu.memref_slice %arg6[%dma_start3A_836, %dma_start3A_838, %dma_start3A_839] : memref<10x128x64xf32, #tpu.memory_space<vmem>> -> memref<1x128x64xf32, #tpu.memory_space<vmem>>
        %dma_start3A_841 = tpu.memref_squeeze %dma_start3A_840 : memref<1x128x64xf32, #tpu.memory_space<vmem>> -> memref<128x64xf32, #tpu.memory_space<vmem>>
        %dma_start3A_842 = arith.constant 0 : i32
        %dma_start3A_843 = tpu.memref_slice %arg5[%add3A_736, %dma_start3A_842] : memref<200x128xi32, #tpu.memory_space<vmem>> -> memref<1x128xi32, #tpu.memory_space<vmem>>
        %dma_start3A_844 = tpu.memref_squeeze %dma_start3A_843 : memref<1x128xi32, #tpu.memory_space<vmem>> -> memref<128xi32, #tpu.memory_space<vmem>>
        %dma_start3A_845 = arith.constant 0 : i32
        %dma_start3A_846 = arith.constant 0 : i32
        %dma_start3A_847 = tpu.memref_slice %arg3[%dma_start3A_845, %dma_start3A_846] : memref<1000000x64xf32, #tpu.memory_space<hbm>> -> memref<1000000x64xf32, #tpu.memory_space<hbm>>
        %dma_start3A_848 = tpu.memref_slice %arg7[%dma_start3A_837] : memref<10x!tpu.dma_semaphore, #tpu.memory_space<semaphore_mem>> -> memref<1x!tpu.dma_semaphore, #tpu.memory_space<semaphore_mem>>
        %dma_start3A_849 = tpu.memref_squeeze %dma_start3A_848 : memref<1x!tpu.dma_semaphore, #tpu.memory_space<semaphore_mem>> -> memref<!tpu.dma_semaphore, #tpu.memory_space<semaphore_mem>>
        tpu.enqueue_indirect_dma source(%dma_start3A_847 : memref<1000000x64xf32, #tpu.memory_space<hbm>>) target(%dma_start3A_841 : memref<128x64xf32, #tpu.memory_space<vmem>>) offsets(%dma_start3A_844 : memref<128xi32, #tpu.memory_space<vmem>>) semaphore(%dma_start3A_849 : memref<!tpu.dma_semaphore, #tpu.memory_space<semaphore_mem>>)
      } else {
      }
      %add3A_742 = arith.constant 10 : i32
      %add3A_743 = arith.addi %mul3A_366, %add3A_742 : i32
      %add3A_744 = arith.constant 2 : i32
      %add3A_745 = arith.addi %add3A_743, %add3A_744 : i32
      %lt3A_746 = arith.constant 200 : i32
      %lt3A_747 = arith.cmpi slt, %add3A_745, %lt3A_746 : i32
      %convert_element_type3A_748 = arith.extui %lt3A_747 : i1 to i32
      %cond3A_749 = arith.constant 0 : i32
      %cond3A_750 = arith.cmpi ne, %convert_element_type3A_748, %cond3A_749 : i32
      scf.if %cond3A_750 {
        %add3A_814 = arith.constant 2 : i32
        %add3A_815 = arith.addi %mul3A_366, %add3A_814 : i32
        %dma_wait3A_816 = arith.constant 2 : i32
        %dma_wait3A_817 = arith.constant 2 : i32
        %dma_wait3A_818 = arith.constant 0 : i32
        %dma_wait3A_819 = arith.constant 0 : i32
        %dma_wait3A_820 = tpu.memref_slice %arg6[%dma_wait3A_816, %dma_wait3A_818, %dma_wait3A_819] : memref<10x128x64xf32, #tpu.memory_space<vmem>> -> memref<1x128x64xf32, #tpu.memory_space<vmem>>
        %dma_wait3A_821 = tpu.memref_squeeze %dma_wait3A_820 : memref<1x128x64xf32, #tpu.memory_space<vmem>> -> memref<128x64xf32, #tpu.memory_space<vmem>>
        %dma_wait3A_822 = arith.constant 0 : i32
        %dma_wait3A_823 = arith.constant 0 : i32
        %dma_wait3A_824 = tpu.memref_slice %arg4[%add3A, %add3A_815, %dma_wait3A_822, %dma_wait3A_823] : memref<32x200x128x64xf32, #tpu.memory_space<hbm>> -> memref<1x1x128x64xf32, #tpu.memory_space<hbm>>
        %dma_wait3A_825 = tpu.memref_squeeze %dma_wait3A_824 : memref<1x1x128x64xf32, #tpu.memory_space<hbm>> -> memref<128x64xf32, #tpu.memory_space<hbm>>
        %dma_wait3A_826 = tpu.memref_slice %arg8[%dma_wait3A_817] : memref<10x!tpu.dma_semaphore, #tpu.memory_space<semaphore_mem>> -> memref<1x!tpu.dma_semaphore, #tpu.memory_space<semaphore_mem>>
        %dma_wait3A_827 = tpu.memref_squeeze %dma_wait3A_826 : memref<1x!tpu.dma_semaphore, #tpu.memory_space<semaphore_mem>> -> memref<!tpu.dma_semaphore, #tpu.memory_space<semaphore_mem>>
        %dma_wait3A_828 = arith.constant 0 : i32
        %dma_wait3A_829 = arith.constant 0 : i32
        %dma_wait3A_830 = tpu.memref_slice %arg4[%add3A, %add3A_815, %dma_wait3A_828, %dma_wait3A_829] : memref<32x200x128x64xf32, #tpu.memory_space<hbm>> -> memref<1x1x128x64xf32, #tpu.memory_space<hbm>>
        %dma_wait3A_831 = tpu.memref_squeeze %dma_wait3A_830 : memref<1x1x128x64xf32, #tpu.memory_space<hbm>> -> memref<128x64xf32, #tpu.memory_space<hbm>>
        %dma_wait3A_832 = arith.constant 0 : i32
        %dma_wait3A_833 = arith.constant 0 : i32
        %dma_wait3A_834 = tpu.memref_slice %arg6[%dma_wait3A_816, %dma_wait3A_832, %dma_wait3A_833] : memref<10x128x64xf32, #tpu.memory_space<vmem>> -> memref<1x128x64xf32, #tpu.memory_space<vmem>>
        %dma_wait3A_835 = tpu.memref_squeeze %dma_wait3A_834 : memref<1x128x64xf32, #tpu.memory_space<vmem>> -> memref<128x64xf32, #tpu.memory_space<vmem>>
        tpu.wait_dma2 semaphore(%dma_wait3A_827 : memref<!tpu.dma_semaphore, #tpu.memory_space<semaphore_mem>>) src(%dma_wait3A_835 : memref<128x64xf32, #tpu.memory_space<vmem>>) dst(%dma_wait3A_831 : memref<128x64xf32, #tpu.memory_space<hbm>>)
        %dma_start3A_836 = arith.constant 2 : i32
        %dma_start3A_837 = arith.constant 2 : i32
        %dma_start3A_838 = arith.constant 0 : i32
        %dma_start3A_839 = arith.constant 0 : i32
        %dma_start3A_840 = tpu.memref_slice %arg6[%dma_start3A_836, %dma_start3A_838, %dma_start3A_839] : memref<10x128x64xf32, #tpu.memory_space<vmem>> -> memref<1x128x64xf32, #tpu.memory_space<vmem>>
        %dma_start3A_841 = tpu.memref_squeeze %dma_start3A_840 : memref<1x128x64xf32, #tpu.memory_space<vmem>> -> memref<128x64xf32, #tpu.memory_space<vmem>>
        %dma_start3A_842 = arith.constant 0 : i32
        %dma_start3A_843 = tpu.memref_slice %arg5[%add3A_745, %dma_start3A_842] : memref<200x128xi32, #tpu.memory_space<vmem>> -> memref<1x128xi32, #tpu.memory_space<vmem>>
        %dma_start3A_844 = tpu.memref_squeeze %dma_start3A_843 : memref<1x128xi32, #tpu.memory_space<vmem>> -> memref<128xi32, #tpu.memory_space<vmem>>
        %dma_start3A_845 = arith.constant 0 : i32
        %dma_start3A_846 = arith.constant 0 : i32
        %dma_start3A_847 = tpu.memref_slice %arg3[%dma_start3A_845, %dma_start3A_846] : memref<1000000x64xf32, #tpu.memory_space<hbm>> -> memref<1000000x64xf32, #tpu.memory_space<hbm>>
        %dma_start3A_848 = tpu.memref_slice %arg7[%dma_start3A_837] : memref<10x!tpu.dma_semaphore, #tpu.memory_space<semaphore_mem>> -> memref<1x!tpu.dma_semaphore, #tpu.memory_space<semaphore_mem>>
        %dma_start3A_849 = tpu.memref_squeeze %dma_start3A_848 : memref<1x!tpu.dma_semaphore, #tpu.memory_space<semaphore_mem>> -> memref<!tpu.dma_semaphore, #tpu.memory_space<semaphore_mem>>
        tpu.enqueue_indirect_dma source(%dma_start3A_847 : memref<1000000x64xf32, #tpu.memory_space<hbm>>) target(%dma_start3A_841 : memref<128x64xf32, #tpu.memory_space<vmem>>) offsets(%dma_start3A_844 : memref<128xi32, #tpu.memory_space<vmem>>) semaphore(%dma_start3A_849 : memref<!tpu.dma_semaphore, #tpu.memory_space<semaphore_mem>>)
      } else {
      }
      %add3A_751 = arith.constant 10 : i32
      %add3A_752 = arith.addi %mul3A_366, %add3A_751 : i32
      %add3A_753 = arith.constant 3 : i32
      %add3A_754 = arith.addi %add3A_752, %add3A_753 : i32
      %lt3A_755 = arith.constant 200 : i32
      %lt3A_756 = arith.cmpi slt, %add3A_754, %lt3A_755 : i32
      %convert_element_type3A_757 = arith.extui %lt3A_756 : i1 to i32
      %cond3A_758 = arith.constant 0 : i32
      %cond3A_759 = arith.cmpi ne, %convert_element_type3A_757, %cond3A_758 : i32
      scf.if %cond3A_759 {
        %add3A_814 = arith.constant 3 : i32
        %add3A_815 = arith.addi %mul3A_366, %add3A_814 : i32
        %dma_wait3A_816 = arith.constant 3 : i32
        %dma_wait3A_817 = arith.constant 3 : i32
        %dma_wait3A_818 = arith.constant 0 : i32
        %dma_wait3A_819 = arith.constant 0 : i32
        %dma_wait3A_820 = tpu.memref_slice %arg6[%dma_wait3A_816, %dma_wait3A_818, %dma_wait3A_819] : memref<10x128x64xf32, #tpu.memory_space<vmem>> -> memref<1x128x64xf32, #tpu.memory_space<vmem>>
        %dma_wait3A_821 = tpu.memref_squeeze %dma_wait3A_820 : memref<1x128x64xf32, #tpu.memory_space<vmem>> -> memref<128x64xf32, #tpu.memory_space<vmem>>
        %dma_wait3A_822 = arith.constant 0 : i32
        %dma_wait3A_823 = arith.constant 0 : i32
        %dma_wait3A_824 = tpu.memref_slice %arg4[%add3A, %add3A_815, %dma_wait3A_822, %dma_wait3A_823] : memref<32x200x128x64xf32, #tpu.memory_space<hbm>> -> memref<1x1x128x64xf32, #tpu.memory_space<hbm>>
        %dma_wait3A_825 = tpu.memref_squeeze %dma_wait3A_824 : memref<1x1x128x64xf32, #tpu.memory_space<hbm>> -> memref<128x64xf32, #tpu.memory_space<hbm>>
        %dma_wait3A_826 = tpu.memref_slice %arg8[%dma_wait3A_817] : memref<10x!tpu.dma_semaphore, #tpu.memory_space<semaphore_mem>> -> memref<1x!tpu.dma_semaphore, #tpu.memory_space<semaphore_mem>>
        %dma_wait3A_827 = tpu.memref_squeeze %dma_wait3A_826 : memref<1x!tpu.dma_semaphore, #tpu.memory_space<semaphore_mem>> -> memref<!tpu.dma_semaphore, #tpu.memory_space<semaphore_mem>>
        %dma_wait3A_828 = arith.constant 0 : i32
        %dma_wait3A_829 = arith.constant 0 : i32
        %dma_wait3A_830 = tpu.memref_slice %arg4[%add3A, %add3A_815, %dma_wait3A_828, %dma_wait3A_829] : memref<32x200x128x64xf32, #tpu.memory_space<hbm>> -> memref<1x1x128x64xf32, #tpu.memory_space<hbm>>
        %dma_wait3A_831 = tpu.memref_squeeze %dma_wait3A_830 : memref<1x1x128x64xf32, #tpu.memory_space<hbm>> -> memref<128x64xf32, #tpu.memory_space<hbm>>
        %dma_wait3A_832 = arith.constant 0 : i32
        %dma_wait3A_833 = arith.constant 0 : i32
        %dma_wait3A_834 = tpu.memref_slice %arg6[%dma_wait3A_816, %dma_wait3A_832, %dma_wait3A_833] : memref<10x128x64xf32, #tpu.memory_space<vmem>> -> memref<1x128x64xf32, #tpu.memory_space<vmem>>
        %dma_wait3A_835 = tpu.memref_squeeze %dma_wait3A_834 : memref<1x128x64xf32, #tpu.memory_space<vmem>> -> memref<128x64xf32, #tpu.memory_space<vmem>>
        tpu.wait_dma2 semaphore(%dma_wait3A_827 : memref<!tpu.dma_semaphore, #tpu.memory_space<semaphore_mem>>) src(%dma_wait3A_835 : memref<128x64xf32, #tpu.memory_space<vmem>>) dst(%dma_wait3A_831 : memref<128x64xf32, #tpu.memory_space<hbm>>)
        %dma_start3A_836 = arith.constant 3 : i32
        %dma_start3A_837 = arith.constant 3 : i32
        %dma_start3A_838 = arith.constant 0 : i32
        %dma_start3A_839 = arith.constant 0 : i32
        %dma_start3A_840 = tpu.memref_slice %arg6[%dma_start3A_836, %dma_start3A_838, %dma_start3A_839] : memref<10x128x64xf32, #tpu.memory_space<vmem>> -> memref<1x128x64xf32, #tpu.memory_space<vmem>>
        %dma_start3A_841 = tpu.memref_squeeze %dma_start3A_840 : memref<1x128x64xf32, #tpu.memory_space<vmem>> -> memref<128x64xf32, #tpu.memory_space<vmem>>
        %dma_start3A_842 = arith.constant 0 : i32
        %dma_start3A_843 = tpu.memref_slice %arg5[%add3A_754, %dma_start3A_842] : memref<200x128xi32, #tpu.memory_space<vmem>> -> memref<1x128xi32, #tpu.memory_space<vmem>>
        %dma_start3A_844 = tpu.memref_squeeze %dma_start3A_843 : memref<1x128xi32, #tpu.memory_space<vmem>> -> memref<128xi32, #tpu.memory_space<vmem>>
        %dma_start3A_845 = arith.constant 0 : i32
        %dma_start3A_846 = arith.constant 0 : i32
        %dma_start3A_847 = tpu.memref_slice %arg3[%dma_start3A_845, %dma_start3A_846] : memref<1000000x64xf32, #tpu.memory_space<hbm>> -> memref<1000000x64xf32, #tpu.memory_space<hbm>>
        %dma_start3A_848 = tpu.memref_slice %arg7[%dma_start3A_837] : memref<10x!tpu.dma_semaphore, #tpu.memory_space<semaphore_mem>> -> memref<1x!tpu.dma_semaphore, #tpu.memory_space<semaphore_mem>>
        %dma_start3A_849 = tpu.memref_squeeze %dma_start3A_848 : memref<1x!tpu.dma_semaphore, #tpu.memory_space<semaphore_mem>> -> memref<!tpu.dma_semaphore, #tpu.memory_space<semaphore_mem>>
        tpu.enqueue_indirect_dma source(%dma_start3A_847 : memref<1000000x64xf32, #tpu.memory_space<hbm>>) target(%dma_start3A_841 : memref<128x64xf32, #tpu.memory_space<vmem>>) offsets(%dma_start3A_844 : memref<128xi32, #tpu.memory_space<vmem>>) semaphore(%dma_start3A_849 : memref<!tpu.dma_semaphore, #tpu.memory_space<semaphore_mem>>)
      } else {
      }
      %add3A_760 = arith.constant 10 : i32
      %add3A_761 = arith.addi %mul3A_366, %add3A_760 : i32
      %add3A_762 = arith.constant 4 : i32
      %add3A_763 = arith.addi %add3A_761, %add3A_762 : i32
      %lt3A_764 = arith.constant 200 : i32
      %lt3A_765 = arith.cmpi slt, %add3A_763, %lt3A_764 : i32
      %convert_element_type3A_766 = arith.extui %lt3A_765 : i1 to i32
      %cond3A_767 = arith.constant 0 : i32
      %cond3A_768 = arith.cmpi ne, %convert_element_type3A_766, %cond3A_767 : i32
      scf.if %cond3A_768 {
        %add3A_814 = arith.constant 4 : i32
        %add3A_815 = arith.addi %mul3A_366, %add3A_814 : i32
        %dma_wait3A_816 = arith.constant 4 : i32
        %dma_wait3A_817 = arith.constant 4 : i32
        %dma_wait3A_818 = arith.constant 0 : i32
        %dma_wait3A_819 = arith.constant 0 : i32
        %dma_wait3A_820 = tpu.memref_slice %arg6[%dma_wait3A_816, %dma_wait3A_818, %dma_wait3A_819] : memref<10x128x64xf32, #tpu.memory_space<vmem>> -> memref<1x128x64xf32, #tpu.memory_space<vmem>>
        %dma_wait3A_821 = tpu.memref_squeeze %dma_wait3A_820 : memref<1x128x64xf32, #tpu.memory_space<vmem>> -> memref<128x64xf32, #tpu.memory_space<vmem>>
        %dma_wait3A_822 = arith.constant 0 : i32
        %dma_wait3A_823 = arith.constant 0 : i32
        %dma_wait3A_824 = tpu.memref_slice %arg4[%add3A, %add3A_815, %dma_wait3A_822, %dma_wait3A_823] : memref<32x200x128x64xf32, #tpu.memory_space<hbm>> -> memref<1x1x128x64xf32, #tpu.memory_space<hbm>>
        %dma_wait3A_825 = tpu.memref_squeeze %dma_wait3A_824 : memref<1x1x128x64xf32, #tpu.memory_space<hbm>> -> memref<128x64xf32, #tpu.memory_space<hbm>>
        %dma_wait3A_826 = tpu.memref_slice %arg8[%dma_wait3A_817] : memref<10x!tpu.dma_semaphore, #tpu.memory_space<semaphore_mem>> -> memref<1x!tpu.dma_semaphore, #tpu.memory_space<semaphore_mem>>
        %dma_wait3A_827 = tpu.memref_squeeze %dma_wait3A_826 : memref<1x!tpu.dma_semaphore, #tpu.memory_space<semaphore_mem>> -> memref<!tpu.dma_semaphore, #tpu.memory_space<semaphore_mem>>
        %dma_wait3A_828 = arith.constant 0 : i32
        %dma_wait3A_829 = arith.constant 0 : i32
        %dma_wait3A_830 = tpu.memref_slice %arg4[%add3A, %add3A_815, %dma_wait3A_828, %dma_wait3A_829] : memref<32x200x128x64xf32, #tpu.memory_space<hbm>> -> memref<1x1x128x64xf32, #tpu.memory_space<hbm>>
        %dma_wait3A_831 = tpu.memref_squeeze %dma_wait3A_830 : memref<1x1x128x64xf32, #tpu.memory_space<hbm>> -> memref<128x64xf32, #tpu.memory_space<hbm>>
        %dma_wait3A_832 = arith.constant 0 : i32
        %dma_wait3A_833 = arith.constant 0 : i32
        %dma_wait3A_834 = tpu.memref_slice %arg6[%dma_wait3A_816, %dma_wait3A_832, %dma_wait3A_833] : memref<10x128x64xf32, #tpu.memory_space<vmem>> -> memref<1x128x64xf32, #tpu.memory_space<vmem>>
        %dma_wait3A_835 = tpu.memref_squeeze %dma_wait3A_834 : memref<1x128x64xf32, #tpu.memory_space<vmem>> -> memref<128x64xf32, #tpu.memory_space<vmem>>
        tpu.wait_dma2 semaphore(%dma_wait3A_827 : memref<!tpu.dma_semaphore, #tpu.memory_space<semaphore_mem>>) src(%dma_wait3A_835 : memref<128x64xf32, #tpu.memory_space<vmem>>) dst(%dma_wait3A_831 : memref<128x64xf32, #tpu.memory_space<hbm>>)
        %dma_start3A_836 = arith.constant 4 : i32
        %dma_start3A_837 = arith.constant 4 : i32
        %dma_start3A_838 = arith.constant 0 : i32
        %dma_start3A_839 = arith.constant 0 : i32
        %dma_start3A_840 = tpu.memref_slice %arg6[%dma_start3A_836, %dma_start3A_838, %dma_start3A_839] : memref<10x128x64xf32, #tpu.memory_space<vmem>> -> memref<1x128x64xf32, #tpu.memory_space<vmem>>
        %dma_start3A_841 = tpu.memref_squeeze %dma_start3A_840 : memref<1x128x64xf32, #tpu.memory_space<vmem>> -> memref<128x64xf32, #tpu.memory_space<vmem>>
        %dma_start3A_842 = arith.constant 0 : i32
        %dma_start3A_843 = tpu.memref_slice %arg5[%add3A_763, %dma_start3A_842] : memref<200x128xi32, #tpu.memory_space<vmem>> -> memref<1x128xi32, #tpu.memory_space<vmem>>
        %dma_start3A_844 = tpu.memref_squeeze %dma_start3A_843 : memref<1x128xi32, #tpu.memory_space<vmem>> -> memref<128xi32, #tpu.memory_space<vmem>>
        %dma_start3A_845 = arith.constant 0 : i32
        %dma_start3A_846 = arith.constant 0 : i32
        %dma_start3A_847 = tpu.memref_slice %arg3[%dma_start3A_845, %dma_start3A_846] : memref<1000000x64xf32, #tpu.memory_space<hbm>> -> memref<1000000x64xf32, #tpu.memory_space<hbm>>
        %dma_start3A_848 = tpu.memref_slice %arg7[%dma_start3A_837] : memref<10x!tpu.dma_semaphore, #tpu.memory_space<semaphore_mem>> -> memref<1x!tpu.dma_semaphore, #tpu.memory_space<semaphore_mem>>
        %dma_start3A_849 = tpu.memref_squeeze %dma_start3A_848 : memref<1x!tpu.dma_semaphore, #tpu.memory_space<semaphore_mem>> -> memref<!tpu.dma_semaphore, #tpu.memory_space<semaphore_mem>>
        tpu.enqueue_indirect_dma source(%dma_start3A_847 : memref<1000000x64xf32, #tpu.memory_space<hbm>>) target(%dma_start3A_841 : memref<128x64xf32, #tpu.memory_space<vmem>>) offsets(%dma_start3A_844 : memref<128xi32, #tpu.memory_space<vmem>>) semaphore(%dma_start3A_849 : memref<!tpu.dma_semaphore, #tpu.memory_space<semaphore_mem>>)
      } else {
      }
      %add3A_769 = arith.constant 10 : i32
      %add3A_770 = arith.addi %mul3A_366, %add3A_769 : i32
      %add3A_771 = arith.constant 5 : i32
      %add3A_772 = arith.addi %add3A_770, %add3A_771 : i32
      %lt3A_773 = arith.constant 200 : i32
      %lt3A_774 = arith.cmpi slt, %add3A_772, %lt3A_773 : i32
      %convert_element_type3A_775 = arith.extui %lt3A_774 : i1 to i32
      %cond3A_776 = arith.constant 0 : i32
      %cond3A_777 = arith.cmpi ne, %convert_element_type3A_775, %cond3A_776 : i32
      scf.if %cond3A_777 {
        %add3A_814 = arith.constant 5 : i32
        %add3A_815 = arith.addi %mul3A_366, %add3A_814 : i32
        %dma_wait3A_816 = arith.constant 5 : i32
        %dma_wait3A_817 = arith.constant 5 : i32
        %dma_wait3A_818 = arith.constant 0 : i32
        %dma_wait3A_819 = arith.constant 0 : i32
        %dma_wait3A_820 = tpu.memref_slice %arg6[%dma_wait3A_816, %dma_wait3A_818, %dma_wait3A_819] : memref<10x128x64xf32, #tpu.memory_space<vmem>> -> memref<1x128x64xf32, #tpu.memory_space<vmem>>
        %dma_wait3A_821 = tpu.memref_squeeze %dma_wait3A_820 : memref<1x128x64xf32, #tpu.memory_space<vmem>> -> memref<128x64xf32, #tpu.memory_space<vmem>>
        %dma_wait3A_822 = arith.constant 0 : i32
        %dma_wait3A_823 = arith.constant 0 : i32
        %dma_wait3A_824 = tpu.memref_slice %arg4[%add3A, %add3A_815, %dma_wait3A_822, %dma_wait3A_823] : memref<32x200x128x64xf32, #tpu.memory_space<hbm>> -> memref<1x1x128x64xf32, #tpu.memory_space<hbm>>
        %dma_wait3A_825 = tpu.memref_squeeze %dma_wait3A_824 : memref<1x1x128x64xf32, #tpu.memory_space<hbm>> -> memref<128x64xf32, #tpu.memory_space<hbm>>
        %dma_wait3A_826 = tpu.memref_slice %arg8[%dma_wait3A_817] : memref<10x!tpu.dma_semaphore, #tpu.memory_space<semaphore_mem>> -> memref<1x!tpu.dma_semaphore, #tpu.memory_space<semaphore_mem>>
        %dma_wait3A_827 = tpu.memref_squeeze %dma_wait3A_826 : memref<1x!tpu.dma_semaphore, #tpu.memory_space<semaphore_mem>> -> memref<!tpu.dma_semaphore, #tpu.memory_space<semaphore_mem>>
        %dma_wait3A_828 = arith.constant 0 : i32
        %dma_wait3A_829 = arith.constant 0 : i32
        %dma_wait3A_830 = tpu.memref_slice %arg4[%add3A, %add3A_815, %dma_wait3A_828, %dma_wait3A_829] : memref<32x200x128x64xf32, #tpu.memory_space<hbm>> -> memref<1x1x128x64xf32, #tpu.memory_space<hbm>>
        %dma_wait3A_831 = tpu.memref_squeeze %dma_wait3A_830 : memref<1x1x128x64xf32, #tpu.memory_space<hbm>> -> memref<128x64xf32, #tpu.memory_space<hbm>>
        %dma_wait3A_832 = arith.constant 0 : i32
        %dma_wait3A_833 = arith.constant 0 : i32
        %dma_wait3A_834 = tpu.memref_slice %arg6[%dma_wait3A_816, %dma_wait3A_832, %dma_wait3A_833] : memref<10x128x64xf32, #tpu.memory_space<vmem>> -> memref<1x128x64xf32, #tpu.memory_space<vmem>>
        %dma_wait3A_835 = tpu.memref_squeeze %dma_wait3A_834 : memref<1x128x64xf32, #tpu.memory_space<vmem>> -> memref<128x64xf32, #tpu.memory_space<vmem>>
        tpu.wait_dma2 semaphore(%dma_wait3A_827 : memref<!tpu.dma_semaphore, #tpu.memory_space<semaphore_mem>>) src(%dma_wait3A_835 : memref<128x64xf32, #tpu.memory_space<vmem>>) dst(%dma_wait3A_831 : memref<128x64xf32, #tpu.memory_space<hbm>>)
        %dma_start3A_836 = arith.constant 5 : i32
        %dma_start3A_837 = arith.constant 5 : i32
        %dma_start3A_838 = arith.constant 0 : i32
        %dma_start3A_839 = arith.constant 0 : i32
        %dma_start3A_840 = tpu.memref_slice %arg6[%dma_start3A_836, %dma_start3A_838, %dma_start3A_839] : memref<10x128x64xf32, #tpu.memory_space<vmem>> -> memref<1x128x64xf32, #tpu.memory_space<vmem>>
        %dma_start3A_841 = tpu.memref_squeeze %dma_start3A_840 : memref<1x128x64xf32, #tpu.memory_space<vmem>> -> memref<128x64xf32, #tpu.memory_space<vmem>>
        %dma_start3A_842 = arith.constant 0 : i32
        %dma_start3A_843 = tpu.memref_slice %arg5[%add3A_772, %dma_start3A_842] : memref<200x128xi32, #tpu.memory_space<vmem>> -> memref<1x128xi32, #tpu.memory_space<vmem>>
        %dma_start3A_844 = tpu.memref_squeeze %dma_start3A_843 : memref<1x128xi32, #tpu.memory_space<vmem>> -> memref<128xi32, #tpu.memory_space<vmem>>
        %dma_start3A_845 = arith.constant 0 : i32
        %dma_start3A_846 = arith.constant 0 : i32
        %dma_start3A_847 = tpu.memref_slice %arg3[%dma_start3A_845, %dma_start3A_846] : memref<1000000x64xf32, #tpu.memory_space<hbm>> -> memref<1000000x64xf32, #tpu.memory_space<hbm>>
        %dma_start3A_848 = tpu.memref_slice %arg7[%dma_start3A_837] : memref<10x!tpu.dma_semaphore, #tpu.memory_space<semaphore_mem>> -> memref<1x!tpu.dma_semaphore, #tpu.memory_space<semaphore_mem>>
        %dma_start3A_849 = tpu.memref_squeeze %dma_start3A_848 : memref<1x!tpu.dma_semaphore, #tpu.memory_space<semaphore_mem>> -> memref<!tpu.dma_semaphore, #tpu.memory_space<semaphore_mem>>
        tpu.enqueue_indirect_dma source(%dma_start3A_847 : memref<1000000x64xf32, #tpu.memory_space<hbm>>) target(%dma_start3A_841 : memref<128x64xf32, #tpu.memory_space<vmem>>) offsets(%dma_start3A_844 : memref<128xi32, #tpu.memory_space<vmem>>) semaphore(%dma_start3A_849 : memref<!tpu.dma_semaphore, #tpu.memory_space<semaphore_mem>>)
      } else {
      }
      %add3A_778 = arith.constant 10 : i32
      %add3A_779 = arith.addi %mul3A_366, %add3A_778 : i32
      %add3A_780 = arith.constant 6 : i32
      %add3A_781 = arith.addi %add3A_779, %add3A_780 : i32
      %lt3A_782 = arith.constant 200 : i32
      %lt3A_783 = arith.cmpi slt, %add3A_781, %lt3A_782 : i32
      %convert_element_type3A_784 = arith.extui %lt3A_783 : i1 to i32
      %cond3A_785 = arith.constant 0 : i32
      %cond3A_786 = arith.cmpi ne, %convert_element_type3A_784, %cond3A_785 : i32
      scf.if %cond3A_786 {
        %add3A_814 = arith.constant 6 : i32
        %add3A_815 = arith.addi %mul3A_366, %add3A_814 : i32
        %dma_wait3A_816 = arith.constant 6 : i32
        %dma_wait3A_817 = arith.constant 6 : i32
        %dma_wait3A_818 = arith.constant 0 : i32
        %dma_wait3A_819 = arith.constant 0 : i32
        %dma_wait3A_820 = tpu.memref_slice %arg6[%dma_wait3A_816, %dma_wait3A_818, %dma_wait3A_819] : memref<10x128x64xf32, #tpu.memory_space<vmem>> -> memref<1x128x64xf32, #tpu.memory_space<vmem>>
        %dma_wait3A_821 = tpu.memref_squeeze %dma_wait3A_820 : memref<1x128x64xf32, #tpu.memory_space<vmem>> -> memref<128x64xf32, #tpu.memory_space<vmem>>
        %dma_wait3A_822 = arith.constant 0 : i32
        %dma_wait3A_823 = arith.constant 0 : i32
        %dma_wait3A_824 = tpu.memref_slice %arg4[%add3A, %add3A_815, %dma_wait3A_822, %dma_wait3A_823] : memref<32x200x128x64xf32, #tpu.memory_space<hbm>> -> memref<1x1x128x64xf32, #tpu.memory_space<hbm>>
        %dma_wait3A_825 = tpu.memref_squeeze %dma_wait3A_824 : memref<1x1x128x64xf32, #tpu.memory_space<hbm>> -> memref<128x64xf32, #tpu.memory_space<hbm>>
        %dma_wait3A_826 = tpu.memref_slice %arg8[%dma_wait3A_817] : memref<10x!tpu.dma_semaphore, #tpu.memory_space<semaphore_mem>> -> memref<1x!tpu.dma_semaphore, #tpu.memory_space<semaphore_mem>>
        %dma_wait3A_827 = tpu.memref_squeeze %dma_wait3A_826 : memref<1x!tpu.dma_semaphore, #tpu.memory_space<semaphore_mem>> -> memref<!tpu.dma_semaphore, #tpu.memory_space<semaphore_mem>>
        %dma_wait3A_828 = arith.constant 0 : i32
        %dma_wait3A_829 = arith.constant 0 : i32
        %dma_wait3A_830 = tpu.memref_slice %arg4[%add3A, %add3A_815, %dma_wait3A_828, %dma_wait3A_829] : memref<32x200x128x64xf32, #tpu.memory_space<hbm>> -> memref<1x1x128x64xf32, #tpu.memory_space<hbm>>
        %dma_wait3A_831 = tpu.memref_squeeze %dma_wait3A_830 : memref<1x1x128x64xf32, #tpu.memory_space<hbm>> -> memref<128x64xf32, #tpu.memory_space<hbm>>
        %dma_wait3A_832 = arith.constant 0 : i32
        %dma_wait3A_833 = arith.constant 0 : i32
        %dma_wait3A_834 = tpu.memref_slice %arg6[%dma_wait3A_816, %dma_wait3A_832, %dma_wait3A_833] : memref<10x128x64xf32, #tpu.memory_space<vmem>> -> memref<1x128x64xf32, #tpu.memory_space<vmem>>
        %dma_wait3A_835 = tpu.memref_squeeze %dma_wait3A_834 : memref<1x128x64xf32, #tpu.memory_space<vmem>> -> memref<128x64xf32, #tpu.memory_space<vmem>>
        tpu.wait_dma2 semaphore(%dma_wait3A_827 : memref<!tpu.dma_semaphore, #tpu.memory_space<semaphore_mem>>) src(%dma_wait3A_835 : memref<128x64xf32, #tpu.memory_space<vmem>>) dst(%dma_wait3A_831 : memref<128x64xf32, #tpu.memory_space<hbm>>)
        %dma_start3A_836 = arith.constant 6 : i32
        %dma_start3A_837 = arith.constant 6 : i32
        %dma_start3A_838 = arith.constant 0 : i32
        %dma_start3A_839 = arith.constant 0 : i32
        %dma_start3A_840 = tpu.memref_slice %arg6[%dma_start3A_836, %dma_start3A_838, %dma_start3A_839] : memref<10x128x64xf32, #tpu.memory_space<vmem>> -> memref<1x128x64xf32, #tpu.memory_space<vmem>>
        %dma_start3A_841 = tpu.memref_squeeze %dma_start3A_840 : memref<1x128x64xf32, #tpu.memory_space<vmem>> -> memref<128x64xf32, #tpu.memory_space<vmem>>
        %dma_start3A_842 = arith.constant 0 : i32
        %dma_start3A_843 = tpu.memref_slice %arg5[%add3A_781, %dma_start3A_842] : memref<200x128xi32, #tpu.memory_space<vmem>> -> memref<1x128xi32, #tpu.memory_space<vmem>>
        %dma_start3A_844 = tpu.memref_squeeze %dma_start3A_843 : memref<1x128xi32, #tpu.memory_space<vmem>> -> memref<128xi32, #tpu.memory_space<vmem>>
        %dma_start3A_845 = arith.constant 0 : i32
        %dma_start3A_846 = arith.constant 0 : i32
        %dma_start3A_847 = tpu.memref_slice %arg3[%dma_start3A_845, %dma_start3A_846] : memref<1000000x64xf32, #tpu.memory_space<hbm>> -> memref<1000000x64xf32, #tpu.memory_space<hbm>>
        %dma_start3A_848 = tpu.memref_slice %arg7[%dma_start3A_837] : memref<10x!tpu.dma_semaphore, #tpu.memory_space<semaphore_mem>> -> memref<1x!tpu.dma_semaphore, #tpu.memory_space<semaphore_mem>>
        %dma_start3A_849 = tpu.memref_squeeze %dma_start3A_848 : memref<1x!tpu.dma_semaphore, #tpu.memory_space<semaphore_mem>> -> memref<!tpu.dma_semaphore, #tpu.memory_space<semaphore_mem>>
        tpu.enqueue_indirect_dma source(%dma_start3A_847 : memref<1000000x64xf32, #tpu.memory_space<hbm>>) target(%dma_start3A_841 : memref<128x64xf32, #tpu.memory_space<vmem>>) offsets(%dma_start3A_844 : memref<128xi32, #tpu.memory_space<vmem>>) semaphore(%dma_start3A_849 : memref<!tpu.dma_semaphore, #tpu.memory_space<semaphore_mem>>)
      } else {
      }
      %add3A_787 = arith.constant 10 : i32
      %add3A_788 = arith.addi %mul3A_366, %add3A_787 : i32
      %add3A_789 = arith.constant 7 : i32
      %add3A_790 = arith.addi %add3A_788, %add3A_789 : i32
      %lt3A_791 = arith.constant 200 : i32
      %lt3A_792 = arith.cmpi slt, %add3A_790, %lt3A_791 : i32
      %convert_element_type3A_793 = arith.extui %lt3A_792 : i1 to i32
      %cond3A_794 = arith.constant 0 : i32
      %cond3A_795 = arith.cmpi ne, %convert_element_type3A_793, %cond3A_794 : i32
      scf.if %cond3A_795 {
        %add3A_814 = arith.constant 7 : i32
        %add3A_815 = arith.addi %mul3A_366, %add3A_814 : i32
        %dma_wait3A_816 = arith.constant 7 : i32
        %dma_wait3A_817 = arith.constant 7 : i32
        %dma_wait3A_818 = arith.constant 0 : i32
        %dma_wait3A_819 = arith.constant 0 : i32
        %dma_wait3A_820 = tpu.memref_slice %arg6[%dma_wait3A_816, %dma_wait3A_818, %dma_wait3A_819] : memref<10x128x64xf32, #tpu.memory_space<vmem>> -> memref<1x128x64xf32, #tpu.memory_space<vmem>>
        %dma_wait3A_821 = tpu.memref_squeeze %dma_wait3A_820 : memref<1x128x64xf32, #tpu.memory_space<vmem>> -> memref<128x64xf32, #tpu.memory_space<vmem>>
        %dma_wait3A_822 = arith.constant 0 : i32
        %dma_wait3A_823 = arith.constant 0 : i32
        %dma_wait3A_824 = tpu.memref_slice %arg4[%add3A, %add3A_815, %dma_wait3A_822, %dma_wait3A_823] : memref<32x200x128x64xf32, #tpu.memory_space<hbm>> -> memref<1x1x128x64xf32, #tpu.memory_space<hbm>>
        %dma_wait3A_825 = tpu.memref_squeeze %dma_wait3A_824 : memref<1x1x128x64xf32, #tpu.memory_space<hbm>> -> memref<128x64xf32, #tpu.memory_space<hbm>>
        %dma_wait3A_826 = tpu.memref_slice %arg8[%dma_wait3A_817] : memref<10x!tpu.dma_semaphore, #tpu.memory_space<semaphore_mem>> -> memref<1x!tpu.dma_semaphore, #tpu.memory_space<semaphore_mem>>
        %dma_wait3A_827 = tpu.memref_squeeze %dma_wait3A_826 : memref<1x!tpu.dma_semaphore, #tpu.memory_space<semaphore_mem>> -> memref<!tpu.dma_semaphore, #tpu.memory_space<semaphore_mem>>
        %dma_wait3A_828 = arith.constant 0 : i32
        %dma_wait3A_829 = arith.constant 0 : i32
        %dma_wait3A_830 = tpu.memref_slice %arg4[%add3A, %add3A_815, %dma_wait3A_828, %dma_wait3A_829] : memref<32x200x128x64xf32, #tpu.memory_space<hbm>> -> memref<1x1x128x64xf32, #tpu.memory_space<hbm>>
        %dma_wait3A_831 = tpu.memref_squeeze %dma_wait3A_830 : memref<1x1x128x64xf32, #tpu.memory_space<hbm>> -> memref<128x64xf32, #tpu.memory_space<hbm>>
        %dma_wait3A_832 = arith.constant 0 : i32
        %dma_wait3A_833 = arith.constant 0 : i32
        %dma_wait3A_834 = tpu.memref_slice %arg6[%dma_wait3A_816, %dma_wait3A_832, %dma_wait3A_833] : memref<10x128x64xf32, #tpu.memory_space<vmem>> -> memref<1x128x64xf32, #tpu.memory_space<vmem>>
        %dma_wait3A_835 = tpu.memref_squeeze %dma_wait3A_834 : memref<1x128x64xf32, #tpu.memory_space<vmem>> -> memref<128x64xf32, #tpu.memory_space<vmem>>
        tpu.wait_dma2 semaphore(%dma_wait3A_827 : memref<!tpu.dma_semaphore, #tpu.memory_space<semaphore_mem>>) src(%dma_wait3A_835 : memref<128x64xf32, #tpu.memory_space<vmem>>) dst(%dma_wait3A_831 : memref<128x64xf32, #tpu.memory_space<hbm>>)
        %dma_start3A_836 = arith.constant 7 : i32
        %dma_start3A_837 = arith.constant 7 : i32
        %dma_start3A_838 = arith.constant 0 : i32
        %dma_start3A_839 = arith.constant 0 : i32
        %dma_start3A_840 = tpu.memref_slice %arg6[%dma_start3A_836, %dma_start3A_838, %dma_start3A_839] : memref<10x128x64xf32, #tpu.memory_space<vmem>> -> memref<1x128x64xf32, #tpu.memory_space<vmem>>
        %dma_start3A_841 = tpu.memref_squeeze %dma_start3A_840 : memref<1x128x64xf32, #tpu.memory_space<vmem>> -> memref<128x64xf32, #tpu.memory_space<vmem>>
        %dma_start3A_842 = arith.constant 0 : i32
        %dma_start3A_843 = tpu.memref_slice %arg5[%add3A_790, %dma_start3A_842] : memref<200x128xi32, #tpu.memory_space<vmem>> -> memref<1x128xi32, #tpu.memory_space<vmem>>
        %dma_start3A_844 = tpu.memref_squeeze %dma_start3A_843 : memref<1x128xi32, #tpu.memory_space<vmem>> -> memref<128xi32, #tpu.memory_space<vmem>>
        %dma_start3A_845 = arith.constant 0 : i32
        %dma_start3A_846 = arith.constant 0 : i32
        %dma_start3A_847 = tpu.memref_slice %arg3[%dma_start3A_845, %dma_start3A_846] : memref<1000000x64xf32, #tpu.memory_space<hbm>> -> memref<1000000x64xf32, #tpu.memory_space<hbm>>
        %dma_start3A_848 = tpu.memref_slice %arg7[%dma_start3A_837] : memref<10x!tpu.dma_semaphore, #tpu.memory_space<semaphore_mem>> -> memref<1x!tpu.dma_semaphore, #tpu.memory_space<semaphore_mem>>
        %dma_start3A_849 = tpu.memref_squeeze %dma_start3A_848 : memref<1x!tpu.dma_semaphore, #tpu.memory_space<semaphore_mem>> -> memref<!tpu.dma_semaphore, #tpu.memory_space<semaphore_mem>>
        tpu.enqueue_indirect_dma source(%dma_start3A_847 : memref<1000000x64xf32, #tpu.memory_space<hbm>>) target(%dma_start3A_841 : memref<128x64xf32, #tpu.memory_space<vmem>>) offsets(%dma_start3A_844 : memref<128xi32, #tpu.memory_space<vmem>>) semaphore(%dma_start3A_849 : memref<!tpu.dma_semaphore, #tpu.memory_space<semaphore_mem>>)
      } else {
      }
      %add3A_796 = arith.constant 10 : i32
      %add3A_797 = arith.addi %mul3A_366, %add3A_796 : i32
      %add3A_798 = arith.constant 8 : i32
      %add3A_799 = arith.addi %add3A_797, %add3A_798 : i32
      %lt3A_800 = arith.constant 200 : i32
      %lt3A_801 = arith.cmpi slt, %add3A_799, %lt3A_800 : i32
      %convert_element_type3A_802 = arith.extui %lt3A_801 : i1 to i32
      %cond3A_803 = arith.constant 0 : i32
      %cond3A_804 = arith.cmpi ne, %convert_element_type3A_802, %cond3A_803 : i32
      scf.if %cond3A_804 {
        %add3A_814 = arith.constant 8 : i32
        %add3A_815 = arith.addi %mul3A_366, %add3A_814 : i32
        %dma_wait3A_816 = arith.constant 8 : i32
        %dma_wait3A_817 = arith.constant 8 : i32
        %dma_wait3A_818 = arith.constant 0 : i32
        %dma_wait3A_819 = arith.constant 0 : i32
        %dma_wait3A_820 = tpu.memref_slice %arg6[%dma_wait3A_816, %dma_wait3A_818, %dma_wait3A_819] : memref<10x128x64xf32, #tpu.memory_space<vmem>> -> memref<1x128x64xf32, #tpu.memory_space<vmem>>
        %dma_wait3A_821 = tpu.memref_squeeze %dma_wait3A_820 : memref<1x128x64xf32, #tpu.memory_space<vmem>> -> memref<128x64xf32, #tpu.memory_space<vmem>>
        %dma_wait3A_822 = arith.constant 0 : i32
        %dma_wait3A_823 = arith.constant 0 : i32
        %dma_wait3A_824 = tpu.memref_slice %arg4[%add3A, %add3A_815, %dma_wait3A_822, %dma_wait3A_823] : memref<32x200x128x64xf32, #tpu.memory_space<hbm>> -> memref<1x1x128x64xf32, #tpu.memory_space<hbm>>
        %dma_wait3A_825 = tpu.memref_squeeze %dma_wait3A_824 : memref<1x1x128x64xf32, #tpu.memory_space<hbm>> -> memref<128x64xf32, #tpu.memory_space<hbm>>
        %dma_wait3A_826 = tpu.memref_slice %arg8[%dma_wait3A_817] : memref<10x!tpu.dma_semaphore, #tpu.memory_space<semaphore_mem>> -> memref<1x!tpu.dma_semaphore, #tpu.memory_space<semaphore_mem>>
        %dma_wait3A_827 = tpu.memref_squeeze %dma_wait3A_826 : memref<1x!tpu.dma_semaphore, #tpu.memory_space<semaphore_mem>> -> memref<!tpu.dma_semaphore, #tpu.memory_space<semaphore_mem>>
        %dma_wait3A_828 = arith.constant 0 : i32
        %dma_wait3A_829 = arith.constant 0 : i32
        %dma_wait3A_830 = tpu.memref_slice %arg4[%add3A, %add3A_815, %dma_wait3A_828, %dma_wait3A_829] : memref<32x200x128x64xf32, #tpu.memory_space<hbm>> -> memref<1x1x128x64xf32, #tpu.memory_space<hbm>>
        %dma_wait3A_831 = tpu.memref_squeeze %dma_wait3A_830 : memref<1x1x128x64xf32, #tpu.memory_space<hbm>> -> memref<128x64xf32, #tpu.memory_space<hbm>>
        %dma_wait3A_832 = arith.constant 0 : i32
        %dma_wait3A_833 = arith.constant 0 : i32
        %dma_wait3A_834 = tpu.memref_slice %arg6[%dma_wait3A_816, %dma_wait3A_832, %dma_wait3A_833] : memref<10x128x64xf32, #tpu.memory_space<vmem>> -> memref<1x128x64xf32, #tpu.memory_space<vmem>>
        %dma_wait3A_835 = tpu.memref_squeeze %dma_wait3A_834 : memref<1x128x64xf32, #tpu.memory_space<vmem>> -> memref<128x64xf32, #tpu.memory_space<vmem>>
        tpu.wait_dma2 semaphore(%dma_wait3A_827 : memref<!tpu.dma_semaphore, #tpu.memory_space<semaphore_mem>>) src(%dma_wait3A_835 : memref<128x64xf32, #tpu.memory_space<vmem>>) dst(%dma_wait3A_831 : memref<128x64xf32, #tpu.memory_space<hbm>>)
        %dma_start3A_836 = arith.constant 8 : i32
        %dma_start3A_837 = arith.constant 8 : i32
        %dma_start3A_838 = arith.constant 0 : i32
        %dma_start3A_839 = arith.constant 0 : i32
        %dma_start3A_840 = tpu.memref_slice %arg6[%dma_start3A_836, %dma_start3A_838, %dma_start3A_839] : memref<10x128x64xf32, #tpu.memory_space<vmem>> -> memref<1x128x64xf32, #tpu.memory_space<vmem>>
        %dma_start3A_841 = tpu.memref_squeeze %dma_start3A_840 : memref<1x128x64xf32, #tpu.memory_space<vmem>> -> memref<128x64xf32, #tpu.memory_space<vmem>>
        %dma_start3A_842 = arith.constant 0 : i32
        %dma_start3A_843 = tpu.memref_slice %arg5[%add3A_799, %dma_start3A_842] : memref<200x128xi32, #tpu.memory_space<vmem>> -> memref<1x128xi32, #tpu.memory_space<vmem>>
        %dma_start3A_844 = tpu.memref_squeeze %dma_start3A_843 : memref<1x128xi32, #tpu.memory_space<vmem>> -> memref<128xi32, #tpu.memory_space<vmem>>
        %dma_start3A_845 = arith.constant 0 : i32
        %dma_start3A_846 = arith.constant 0 : i32
        %dma_start3A_847 = tpu.memref_slice %arg3[%dma_start3A_845, %dma_start3A_846] : memref<1000000x64xf32, #tpu.memory_space<hbm>> -> memref<1000000x64xf32, #tpu.memory_space<hbm>>
        %dma_start3A_848 = tpu.memref_slice %arg7[%dma_start3A_837] : memref<10x!tpu.dma_semaphore, #tpu.memory_space<semaphore_mem>> -> memref<1x!tpu.dma_semaphore, #tpu.memory_space<semaphore_mem>>
        %dma_start3A_849 = tpu.memref_squeeze %dma_start3A_848 : memref<1x!tpu.dma_semaphore, #tpu.memory_space<semaphore_mem>> -> memref<!tpu.dma_semaphore, #tpu.memory_space<semaphore_mem>>
        tpu.enqueue_indirect_dma source(%dma_start3A_847 : memref<1000000x64xf32, #tpu.memory_space<hbm>>) target(%dma_start3A_841 : memref<128x64xf32, #tpu.memory_space<vmem>>) offsets(%dma_start3A_844 : memref<128xi32, #tpu.memory_space<vmem>>) semaphore(%dma_start3A_849 : memref<!tpu.dma_semaphore, #tpu.memory_space<semaphore_mem>>)
      } else {
      }
      %add3A_805 = arith.constant 10 : i32
      %add3A_806 = arith.addi %mul3A_366, %add3A_805 : i32
      %add3A_807 = arith.constant 9 : i32
      %add3A_808 = arith.addi %add3A_806, %add3A_807 : i32
      %lt3A_809 = arith.constant 200 : i32
      %lt3A_810 = arith.cmpi slt, %add3A_808, %lt3A_809 : i32
      %convert_element_type3A_811 = arith.extui %lt3A_810 : i1 to i32
      %cond3A_812 = arith.constant 0 : i32
      %cond3A_813 = arith.cmpi ne, %convert_element_type3A_811, %cond3A_812 : i32
      scf.if %cond3A_813 {
        %add3A_814 = arith.constant 9 : i32
        %add3A_815 = arith.addi %mul3A_366, %add3A_814 : i32
        %dma_wait3A_816 = arith.constant 9 : i32
        %dma_wait3A_817 = arith.constant 9 : i32
        %dma_wait3A_818 = arith.constant 0 : i32
        %dma_wait3A_819 = arith.constant 0 : i32
        %dma_wait3A_820 = tpu.memref_slice %arg6[%dma_wait3A_816, %dma_wait3A_818, %dma_wait3A_819] : memref<10x128x64xf32, #tpu.memory_space<vmem>> -> memref<1x128x64xf32, #tpu.memory_space<vmem>>
        %dma_wait3A_821 = tpu.memref_squeeze %dma_wait3A_820 : memref<1x128x64xf32, #tpu.memory_space<vmem>> -> memref<128x64xf32, #tpu.memory_space<vmem>>
        %dma_wait3A_822 = arith.constant 0 : i32
        %dma_wait3A_823 = arith.constant 0 : i32
        %dma_wait3A_824 = tpu.memref_slice %arg4[%add3A, %add3A_815, %dma_wait3A_822, %dma_wait3A_823] : memref<32x200x128x64xf32, #tpu.memory_space<hbm>> -> memref<1x1x128x64xf32, #tpu.memory_space<hbm>>
        %dma_wait3A_825 = tpu.memref_squeeze %dma_wait3A_824 : memref<1x1x128x64xf32, #tpu.memory_space<hbm>> -> memref<128x64xf32, #tpu.memory_space<hbm>>
        %dma_wait3A_826 = tpu.memref_slice %arg8[%dma_wait3A_817] : memref<10x!tpu.dma_semaphore, #tpu.memory_space<semaphore_mem>> -> memref<1x!tpu.dma_semaphore, #tpu.memory_space<semaphore_mem>>
        %dma_wait3A_827 = tpu.memref_squeeze %dma_wait3A_826 : memref<1x!tpu.dma_semaphore, #tpu.memory_space<semaphore_mem>> -> memref<!tpu.dma_semaphore, #tpu.memory_space<semaphore_mem>>
        %dma_wait3A_828 = arith.constant 0 : i32
        %dma_wait3A_829 = arith.constant 0 : i32
        %dma_wait3A_830 = tpu.memref_slice %arg4[%add3A, %add3A_815, %dma_wait3A_828, %dma_wait3A_829] : memref<32x200x128x64xf32, #tpu.memory_space<hbm>> -> memref<1x1x128x64xf32, #tpu.memory_space<hbm>>
        %dma_wait3A_831 = tpu.memref_squeeze %dma_wait3A_830 : memref<1x1x128x64xf32, #tpu.memory_space<hbm>> -> memref<128x64xf32, #tpu.memory_space<hbm>>
        %dma_wait3A_832 = arith.constant 0 : i32
        %dma_wait3A_833 = arith.constant 0 : i32
        %dma_wait3A_834 = tpu.memref_slice %arg6[%dma_wait3A_816, %dma_wait3A_832, %dma_wait3A_833] : memref<10x128x64xf32, #tpu.memory_space<vmem>> -> memref<1x128x64xf32, #tpu.memory_space<vmem>>
        %dma_wait3A_835 = tpu.memref_squeeze %dma_wait3A_834 : memref<1x128x64xf32, #tpu.memory_space<vmem>> -> memref<128x64xf32, #tpu.memory_space<vmem>>
        tpu.wait_dma2 semaphore(%dma_wait3A_827 : memref<!tpu.dma_semaphore, #tpu.memory_space<semaphore_mem>>) src(%dma_wait3A_835 : memref<128x64xf32, #tpu.memory_space<vmem>>) dst(%dma_wait3A_831 : memref<128x64xf32, #tpu.memory_space<hbm>>)
        %dma_start3A_836 = arith.constant 9 : i32
        %dma_start3A_837 = arith.constant 9 : i32
        %dma_start3A_838 = arith.constant 0 : i32
        %dma_start3A_839 = arith.constant 0 : i32
        %dma_start3A_840 = tpu.memref_slice %arg6[%dma_start3A_836, %dma_start3A_838, %dma_start3A_839] : memref<10x128x64xf32, #tpu.memory_space<vmem>> -> memref<1x128x64xf32, #tpu.memory_space<vmem>>
        %dma_start3A_841 = tpu.memref_squeeze %dma_start3A_840 : memref<1x128x64xf32, #tpu.memory_space<vmem>> -> memref<128x64xf32, #tpu.memory_space<vmem>>
        %dma_start3A_842 = arith.constant 0 : i32
        %dma_start3A_843 = tpu.memref_slice %arg5[%add3A_808, %dma_start3A_842] : memref<200x128xi32, #tpu.memory_space<vmem>> -> memref<1x128xi32, #tpu.memory_space<vmem>>
        %dma_start3A_844 = tpu.memref_squeeze %dma_start3A_843 : memref<1x128xi32, #tpu.memory_space<vmem>> -> memref<128xi32, #tpu.memory_space<vmem>>
        %dma_start3A_845 = arith.constant 0 : i32
        %dma_start3A_846 = arith.constant 0 : i32
        %dma_start3A_847 = tpu.memref_slice %arg3[%dma_start3A_845, %dma_start3A_846] : memref<1000000x64xf32, #tpu.memory_space<hbm>> -> memref<1000000x64xf32, #tpu.memory_space<hbm>>
        %dma_start3A_848 = tpu.memref_slice %arg7[%dma_start3A_837] : memref<10x!tpu.dma_semaphore, #tpu.memory_space<semaphore_mem>> -> memref<1x!tpu.dma_semaphore, #tpu.memory_space<semaphore_mem>>
        %dma_start3A_849 = tpu.memref_squeeze %dma_start3A_848 : memref<1x!tpu.dma_semaphore, #tpu.memory_space<semaphore_mem>> -> memref<!tpu.dma_semaphore, #tpu.memory_space<semaphore_mem>>
        tpu.enqueue_indirect_dma source(%dma_start3A_847 : memref<1000000x64xf32, #tpu.memory_space<hbm>>) target(%dma_start3A_841 : memref<128x64xf32, #tpu.memory_space<vmem>>) offsets(%dma_start3A_844 : memref<128xi32, #tpu.memory_space<vmem>>) semaphore(%dma_start3A_849 : memref<!tpu.dma_semaphore, #tpu.memory_space<semaphore_mem>>)
      } else {
      }
    }
    %scan3A_154 = arith.constant 20 : i32
    %dma_wait3A = arith.constant 0 : i32
    %dma_wait3A_155 = arith.constant 190 : i32
    %dma_wait3A_156 = arith.constant 0 : i32
    %dma_wait3A_157 = arith.constant 0 : i32
    %dma_wait3A_158 = arith.constant 0 : i32
    %dma_wait3A_159 = tpu.memref_slice %arg6[%dma_wait3A, %dma_wait3A_157, %dma_wait3A_158] : memref<10x128x64xf32, #tpu.memory_space<vmem>> -> memref<1x128x64xf32, #tpu.memory_space<vmem>>
    %dma_wait3A_160 = tpu.memref_squeeze %dma_wait3A_159 : memref<1x128x64xf32, #tpu.memory_space<vmem>> -> memref<128x64xf32, #tpu.memory_space<vmem>>
    %dma_wait3A_161 = arith.constant 0 : i32
    %dma_wait3A_162 = arith.constant 0 : i32
    %dma_wait3A_163 = tpu.memref_slice %arg4[%add3A, %dma_wait3A_155, %dma_wait3A_161, %dma_wait3A_162] : memref<32x200x128x64xf32, #tpu.memory_space<hbm>> -> memref<1x1x128x64xf32, #tpu.memory_space<hbm>>
    %dma_wait3A_164 = tpu.memref_squeeze %dma_wait3A_163 : memref<1x1x128x64xf32, #tpu.memory_space<hbm>> -> memref<128x64xf32, #tpu.memory_space<hbm>>
    %dma_wait3A_165 = tpu.memref_slice %arg8[%dma_wait3A_156] : memref<10x!tpu.dma_semaphore, #tpu.memory_space<semaphore_mem>> -> memref<1x!tpu.dma_semaphore, #tpu.memory_space<semaphore_mem>>
    %dma_wait3A_166 = tpu.memref_squeeze %dma_wait3A_165 : memref<1x!tpu.dma_semaphore, #tpu.memory_space<semaphore_mem>> -> memref<!tpu.dma_semaphore, #tpu.memory_space<semaphore_mem>>
    %dma_wait3A_167 = arith.constant 0 : i32
    %dma_wait3A_168 = arith.constant 0 : i32
    %dma_wait3A_169 = tpu.memref_slice %arg4[%add3A, %dma_wait3A_155, %dma_wait3A_167, %dma_wait3A_168] : memref<32x200x128x64xf32, #tpu.memory_space<hbm>> -> memref<1x1x128x64xf32, #tpu.memory_space<hbm>>
    %dma_wait3A_170 = tpu.memref_squeeze %dma_wait3A_169 : memref<1x1x128x64xf32, #tpu.memory_space<hbm>> -> memref<128x64xf32, #tpu.memory_space<hbm>>
    %dma_wait3A_171 = arith.constant 0 : i32
    %dma_wait3A_172 = arith.constant 0 : i32
    %dma_wait3A_173 = tpu.memref_slice %arg6[%dma_wait3A, %dma_wait3A_171, %dma_wait3A_172] : memref<10x128x64xf32, #tpu.memory_space<vmem>> -> memref<1x128x64xf32, #tpu.memory_space<vmem>>
    %dma_wait3A_174 = tpu.memref_squeeze %dma_wait3A_173 : memref<1x128x64xf32, #tpu.memory_space<vmem>> -> memref<128x64xf32, #tpu.memory_space<vmem>>
    tpu.wait_dma2 semaphore(%dma_wait3A_166 : memref<!tpu.dma_semaphore, #tpu.memory_space<semaphore_mem>>) src(%dma_wait3A_174 : memref<128x64xf32, #tpu.memory_space<vmem>>) dst(%dma_wait3A_170 : memref<128x64xf32, #tpu.memory_space<hbm>>)
    %dma_wait3A_175 = arith.constant 1 : i32
    %dma_wait3A_176 = arith.constant 191 : i32
    %dma_wait3A_177 = arith.constant 1 : i32
    %dma_wait3A_178 = arith.constant 0 : i32
    %dma_wait3A_179 = arith.constant 0 : i32
    %dma_wait3A_180 = tpu.memref_slice %arg6[%dma_wait3A_175, %dma_wait3A_178, %dma_wait3A_179] : memref<10x128x64xf32, #tpu.memory_space<vmem>> -> memref<1x128x64xf32, #tpu.memory_space<vmem>>
    %dma_wait3A_181 = tpu.memref_squeeze %dma_wait3A_180 : memref<1x128x64xf32, #tpu.memory_space<vmem>> -> memref<128x64xf32, #tpu.memory_space<vmem>>
    %dma_wait3A_182 = arith.constant 0 : i32
    %dma_wait3A_183 = arith.constant 0 : i32
    %dma_wait3A_184 = tpu.memref_slice %arg4[%add3A, %dma_wait3A_176, %dma_wait3A_182, %dma_wait3A_183] : memref<32x200x128x64xf32, #tpu.memory_space<hbm>> -> memref<1x1x128x64xf32, #tpu.memory_space<hbm>>
    %dma_wait3A_185 = tpu.memref_squeeze %dma_wait3A_184 : memref<1x1x128x64xf32, #tpu.memory_space<hbm>> -> memref<128x64xf32, #tpu.memory_space<hbm>>
    %dma_wait3A_186 = tpu.memref_slice %arg8[%dma_wait3A_177] : memref<10x!tpu.dma_semaphore, #tpu.memory_space<semaphore_mem>> -> memref<1x!tpu.dma_semaphore, #tpu.memory_space<semaphore_mem>>
    %dma_wait3A_187 = tpu.memref_squeeze %dma_wait3A_186 : memref<1x!tpu.dma_semaphore, #tpu.memory_space<semaphore_mem>> -> memref<!tpu.dma_semaphore, #tpu.memory_space<semaphore_mem>>
    %dma_wait3A_188 = arith.constant 0 : i32
    %dma_wait3A_189 = arith.constant 0 : i32
    %dma_wait3A_190 = tpu.memref_slice %arg4[%add3A, %dma_wait3A_176, %dma_wait3A_188, %dma_wait3A_189] : memref<32x200x128x64xf32, #tpu.memory_space<hbm>> -> memref<1x1x128x64xf32, #tpu.memory_space<hbm>>
    %dma_wait3A_191 = tpu.memref_squeeze %dma_wait3A_190 : memref<1x1x128x64xf32, #tpu.memory_space<hbm>> -> memref<128x64xf32, #tpu.memory_space<hbm>>
    %dma_wait3A_192 = arith.constant 0 : i32
    %dma_wait3A_193 = arith.constant 0 : i32
    %dma_wait3A_194 = tpu.memref_slice %arg6[%dma_wait3A_175, %dma_wait3A_192, %dma_wait3A_193] : memref<10x128x64xf32, #tpu.memory_space<vmem>> -> memref<1x128x64xf32, #tpu.memory_space<vmem>>
    %dma_wait3A_195 = tpu.memref_squeeze %dma_wait3A_194 : memref<1x128x64xf32, #tpu.memory_space<vmem>> -> memref<128x64xf32, #tpu.memory_space<vmem>>
    tpu.wait_dma2 semaphore(%dma_wait3A_187 : memref<!tpu.dma_semaphore, #tpu.memory_space<semaphore_mem>>) src(%dma_wait3A_195 : memref<128x64xf32, #tpu.memory_space<vmem>>) dst(%dma_wait3A_191 : memref<128x64xf32, #tpu.memory_space<hbm>>)
    %dma_wait3A_196 = arith.constant 2 : i32
    %dma_wait3A_197 = arith.constant 192 : i32
    %dma_wait3A_198 = arith.constant 2 : i32
    %dma_wait3A_199 = arith.constant 0 : i32
    %dma_wait3A_200 = arith.constant 0 : i32
    %dma_wait3A_201 = tpu.memref_slice %arg6[%dma_wait3A_196, %dma_wait3A_199, %dma_wait3A_200] : memref<10x128x64xf32, #tpu.memory_space<vmem>> -> memref<1x128x64xf32, #tpu.memory_space<vmem>>
    %dma_wait3A_202 = tpu.memref_squeeze %dma_wait3A_201 : memref<1x128x64xf32, #tpu.memory_space<vmem>> -> memref<128x64xf32, #tpu.memory_space<vmem>>
    %dma_wait3A_203 = arith.constant 0 : i32
    %dma_wait3A_204 = arith.constant 0 : i32
    %dma_wait3A_205 = tpu.memref_slice %arg4[%add3A, %dma_wait3A_197, %dma_wait3A_203, %dma_wait3A_204] : memref<32x200x128x64xf32, #tpu.memory_space<hbm>> -> memref<1x1x128x64xf32, #tpu.memory_space<hbm>>
    %dma_wait3A_206 = tpu.memref_squeeze %dma_wait3A_205 : memref<1x1x128x64xf32, #tpu.memory_space<hbm>> -> memref<128x64xf32, #tpu.memory_space<hbm>>
    %dma_wait3A_207 = tpu.memref_slice %arg8[%dma_wait3A_198] : memref<10x!tpu.dma_semaphore, #tpu.memory_space<semaphore_mem>> -> memref<1x!tpu.dma_semaphore, #tpu.memory_space<semaphore_mem>>
    %dma_wait3A_208 = tpu.memref_squeeze %dma_wait3A_207 : memref<1x!tpu.dma_semaphore, #tpu.memory_space<semaphore_mem>> -> memref<!tpu.dma_semaphore, #tpu.memory_space<semaphore_mem>>
    %dma_wait3A_209 = arith.constant 0 : i32
    %dma_wait3A_210 = arith.constant 0 : i32
    %dma_wait3A_211 = tpu.memref_slice %arg4[%add3A, %dma_wait3A_197, %dma_wait3A_209, %dma_wait3A_210] : memref<32x200x128x64xf32, #tpu.memory_space<hbm>> -> memref<1x1x128x64xf32, #tpu.memory_space<hbm>>
    %dma_wait3A_212 = tpu.memref_squeeze %dma_wait3A_211 : memref<1x1x128x64xf32, #tpu.memory_space<hbm>> -> memref<128x64xf32, #tpu.memory_space<hbm>>
    %dma_wait3A_213 = arith.constant 0 : i32
    %dma_wait3A_214 = arith.constant 0 : i32
    %dma_wait3A_215 = tpu.memref_slice %arg6[%dma_wait3A_196, %dma_wait3A_213, %dma_wait3A_214] : memref<10x128x64xf32, #tpu.memory_space<vmem>> -> memref<1x128x64xf32, #tpu.memory_space<vmem>>
    %dma_wait3A_216 = tpu.memref_squeeze %dma_wait3A_215 : memref<1x128x64xf32, #tpu.memory_space<vmem>> -> memref<128x64xf32, #tpu.memory_space<vmem>>
    tpu.wait_dma2 semaphore(%dma_wait3A_208 : memref<!tpu.dma_semaphore, #tpu.memory_space<semaphore_mem>>) src(%dma_wait3A_216 : memref<128x64xf32, #tpu.memory_space<vmem>>) dst(%dma_wait3A_212 : memref<128x64xf32, #tpu.memory_space<hbm>>)
    %dma_wait3A_217 = arith.constant 3 : i32
    %dma_wait3A_218 = arith.constant 193 : i32
    %dma_wait3A_219 = arith.constant 3 : i32
    %dma_wait3A_220 = arith.constant 0 : i32
    %dma_wait3A_221 = arith.constant 0 : i32
    %dma_wait3A_222 = tpu.memref_slice %arg6[%dma_wait3A_217, %dma_wait3A_220, %dma_wait3A_221] : memref<10x128x64xf32, #tpu.memory_space<vmem>> -> memref<1x128x64xf32, #tpu.memory_space<vmem>>
    %dma_wait3A_223 = tpu.memref_squeeze %dma_wait3A_222 : memref<1x128x64xf32, #tpu.memory_space<vmem>> -> memref<128x64xf32, #tpu.memory_space<vmem>>
    %dma_wait3A_224 = arith.constant 0 : i32
    %dma_wait3A_225 = arith.constant 0 : i32
    %dma_wait3A_226 = tpu.memref_slice %arg4[%add3A, %dma_wait3A_218, %dma_wait3A_224, %dma_wait3A_225] : memref<32x200x128x64xf32, #tpu.memory_space<hbm>> -> memref<1x1x128x64xf32, #tpu.memory_space<hbm>>
    %dma_wait3A_227 = tpu.memref_squeeze %dma_wait3A_226 : memref<1x1x128x64xf32, #tpu.memory_space<hbm>> -> memref<128x64xf32, #tpu.memory_space<hbm>>
    %dma_wait3A_228 = tpu.memref_slice %arg8[%dma_wait3A_219] : memref<10x!tpu.dma_semaphore, #tpu.memory_space<semaphore_mem>> -> memref<1x!tpu.dma_semaphore, #tpu.memory_space<semaphore_mem>>
    %dma_wait3A_229 = tpu.memref_squeeze %dma_wait3A_228 : memref<1x!tpu.dma_semaphore, #tpu.memory_space<semaphore_mem>> -> memref<!tpu.dma_semaphore, #tpu.memory_space<semaphore_mem>>
    %dma_wait3A_230 = arith.constant 0 : i32
    %dma_wait3A_231 = arith.constant 0 : i32
    %dma_wait3A_232 = tpu.memref_slice %arg4[%add3A, %dma_wait3A_218, %dma_wait3A_230, %dma_wait3A_231] : memref<32x200x128x64xf32, #tpu.memory_space<hbm>> -> memref<1x1x128x64xf32, #tpu.memory_space<hbm>>
    %dma_wait3A_233 = tpu.memref_squeeze %dma_wait3A_232 : memref<1x1x128x64xf32, #tpu.memory_space<hbm>> -> memref<128x64xf32, #tpu.memory_space<hbm>>
    %dma_wait3A_234 = arith.constant 0 : i32
    %dma_wait3A_235 = arith.constant 0 : i32
    %dma_wait3A_236 = tpu.memref_slice %arg6[%dma_wait3A_217, %dma_wait3A_234, %dma_wait3A_235] : memref<10x128x64xf32, #tpu.memory_space<vmem>> -> memref<1x128x64xf32, #tpu.memory_space<vmem>>
    %dma_wait3A_237 = tpu.memref_squeeze %dma_wait3A_236 : memref<1x128x64xf32, #tpu.memory_space<vmem>> -> memref<128x64xf32, #tpu.memory_space<vmem>>
    tpu.wait_dma2 semaphore(%dma_wait3A_229 : memref<!tpu.dma_semaphore, #tpu.memory_space<semaphore_mem>>) src(%dma_wait3A_237 : memref<128x64xf32, #tpu.memory_space<vmem>>) dst(%dma_wait3A_233 : memref<128x64xf32, #tpu.memory_space<hbm>>)
    %dma_wait3A_238 = arith.constant 4 : i32
    %dma_wait3A_239 = arith.constant 194 : i32
    %dma_wait3A_240 = arith.constant 4 : i32
    %dma_wait3A_241 = arith.constant 0 : i32
    %dma_wait3A_242 = arith.constant 0 : i32
    %dma_wait3A_243 = tpu.memref_slice %arg6[%dma_wait3A_238, %dma_wait3A_241, %dma_wait3A_242] : memref<10x128x64xf32, #tpu.memory_space<vmem>> -> memref<1x128x64xf32, #tpu.memory_space<vmem>>
    %dma_wait3A_244 = tpu.memref_squeeze %dma_wait3A_243 : memref<1x128x64xf32, #tpu.memory_space<vmem>> -> memref<128x64xf32, #tpu.memory_space<vmem>>
    %dma_wait3A_245 = arith.constant 0 : i32
    %dma_wait3A_246 = arith.constant 0 : i32
    %dma_wait3A_247 = tpu.memref_slice %arg4[%add3A, %dma_wait3A_239, %dma_wait3A_245, %dma_wait3A_246] : memref<32x200x128x64xf32, #tpu.memory_space<hbm>> -> memref<1x1x128x64xf32, #tpu.memory_space<hbm>>
    %dma_wait3A_248 = tpu.memref_squeeze %dma_wait3A_247 : memref<1x1x128x64xf32, #tpu.memory_space<hbm>> -> memref<128x64xf32, #tpu.memory_space<hbm>>
    %dma_wait3A_249 = tpu.memref_slice %arg8[%dma_wait3A_240] : memref<10x!tpu.dma_semaphore, #tpu.memory_space<semaphore_mem>> -> memref<1x!tpu.dma_semaphore, #tpu.memory_space<semaphore_mem>>
    %dma_wait3A_250 = tpu.memref_squeeze %dma_wait3A_249 : memref<1x!tpu.dma_semaphore, #tpu.memory_space<semaphore_mem>> -> memref<!tpu.dma_semaphore, #tpu.memory_space<semaphore_mem>>
    %dma_wait3A_251 = arith.constant 0 : i32
    %dma_wait3A_252 = arith.constant 0 : i32
    %dma_wait3A_253 = tpu.memref_slice %arg4[%add3A, %dma_wait3A_239, %dma_wait3A_251, %dma_wait3A_252] : memref<32x200x128x64xf32, #tpu.memory_space<hbm>> -> memref<1x1x128x64xf32, #tpu.memory_space<hbm>>
    %dma_wait3A_254 = tpu.memref_squeeze %dma_wait3A_253 : memref<1x1x128x64xf32, #tpu.memory_space<hbm>> -> memref<128x64xf32, #tpu.memory_space<hbm>>
    %dma_wait3A_255 = arith.constant 0 : i32
    %dma_wait3A_256 = arith.constant 0 : i32
    %dma_wait3A_257 = tpu.memref_slice %arg6[%dma_wait3A_238, %dma_wait3A_255, %dma_wait3A_256] : memref<10x128x64xf32, #tpu.memory_space<vmem>> -> memref<1x128x64xf32, #tpu.memory_space<vmem>>
    %dma_wait3A_258 = tpu.memref_squeeze %dma_wait3A_257 : memref<1x128x64xf32, #tpu.memory_space<vmem>> -> memref<128x64xf32, #tpu.memory_space<vmem>>
    tpu.wait_dma2 semaphore(%dma_wait3A_250 : memref<!tpu.dma_semaphore, #tpu.memory_space<semaphore_mem>>) src(%dma_wait3A_258 : memref<128x64xf32, #tpu.memory_space<vmem>>) dst(%dma_wait3A_254 : memref<128x64xf32, #tpu.memory_space<hbm>>)
    %dma_wait3A_259 = arith.constant 5 : i32
    %dma_wait3A_260 = arith.constant 195 : i32
    %dma_wait3A_261 = arith.constant 5 : i32
    %dma_wait3A_262 = arith.constant 0 : i32
    %dma_wait3A_263 = arith.constant 0 : i32
    %dma_wait3A_264 = tpu.memref_slice %arg6[%dma_wait3A_259, %dma_wait3A_262, %dma_wait3A_263] : memref<10x128x64xf32, #tpu.memory_space<vmem>> -> memref<1x128x64xf32, #tpu.memory_space<vmem>>
    %dma_wait3A_265 = tpu.memref_squeeze %dma_wait3A_264 : memref<1x128x64xf32, #tpu.memory_space<vmem>> -> memref<128x64xf32, #tpu.memory_space<vmem>>
    %dma_wait3A_266 = arith.constant 0 : i32
    %dma_wait3A_267 = arith.constant 0 : i32
    %dma_wait3A_268 = tpu.memref_slice %arg4[%add3A, %dma_wait3A_260, %dma_wait3A_266, %dma_wait3A_267] : memref<32x200x128x64xf32, #tpu.memory_space<hbm>> -> memref<1x1x128x64xf32, #tpu.memory_space<hbm>>
    %dma_wait3A_269 = tpu.memref_squeeze %dma_wait3A_268 : memref<1x1x128x64xf32, #tpu.memory_space<hbm>> -> memref<128x64xf32, #tpu.memory_space<hbm>>
    %dma_wait3A_270 = tpu.memref_slice %arg8[%dma_wait3A_261] : memref<10x!tpu.dma_semaphore, #tpu.memory_space<semaphore_mem>> -> memref<1x!tpu.dma_semaphore, #tpu.memory_space<semaphore_mem>>
    %dma_wait3A_271 = tpu.memref_squeeze %dma_wait3A_270 : memref<1x!tpu.dma_semaphore, #tpu.memory_space<semaphore_mem>> -> memref<!tpu.dma_semaphore, #tpu.memory_space<semaphore_mem>>
    %dma_wait3A_272 = arith.constant 0 : i32
    %dma_wait3A_273 = arith.constant 0 : i32
    %dma_wait3A_274 = tpu.memref_slice %arg4[%add3A, %dma_wait3A_260, %dma_wait3A_272, %dma_wait3A_273] : memref<32x200x128x64xf32, #tpu.memory_space<hbm>> -> memref<1x1x128x64xf32, #tpu.memory_space<hbm>>
    %dma_wait3A_275 = tpu.memref_squeeze %dma_wait3A_274 : memref<1x1x128x64xf32, #tpu.memory_space<hbm>> -> memref<128x64xf32, #tpu.memory_space<hbm>>
    %dma_wait3A_276 = arith.constant 0 : i32
    %dma_wait3A_277 = arith.constant 0 : i32
    %dma_wait3A_278 = tpu.memref_slice %arg6[%dma_wait3A_259, %dma_wait3A_276, %dma_wait3A_277] : memref<10x128x64xf32, #tpu.memory_space<vmem>> -> memref<1x128x64xf32, #tpu.memory_space<vmem>>
    %dma_wait3A_279 = tpu.memref_squeeze %dma_wait3A_278 : memref<1x128x64xf32, #tpu.memory_space<vmem>> -> memref<128x64xf32, #tpu.memory_space<vmem>>
    tpu.wait_dma2 semaphore(%dma_wait3A_271 : memref<!tpu.dma_semaphore, #tpu.memory_space<semaphore_mem>>) src(%dma_wait3A_279 : memref<128x64xf32, #tpu.memory_space<vmem>>) dst(%dma_wait3A_275 : memref<128x64xf32, #tpu.memory_space<hbm>>)
    %dma_wait3A_280 = arith.constant 6 : i32
    %dma_wait3A_281 = arith.constant 196 : i32
    %dma_wait3A_282 = arith.constant 6 : i32
    %dma_wait3A_283 = arith.constant 0 : i32
    %dma_wait3A_284 = arith.constant 0 : i32
    %dma_wait3A_285 = tpu.memref_slice %arg6[%dma_wait3A_280, %dma_wait3A_283, %dma_wait3A_284] : memref<10x128x64xf32, #tpu.memory_space<vmem>> -> memref<1x128x64xf32, #tpu.memory_space<vmem>>
    %dma_wait3A_286 = tpu.memref_squeeze %dma_wait3A_285 : memref<1x128x64xf32, #tpu.memory_space<vmem>> -> memref<128x64xf32, #tpu.memory_space<vmem>>
    %dma_wait3A_287 = arith.constant 0 : i32
    %dma_wait3A_288 = arith.constant 0 : i32
    %dma_wait3A_289 = tpu.memref_slice %arg4[%add3A, %dma_wait3A_281, %dma_wait3A_287, %dma_wait3A_288] : memref<32x200x128x64xf32, #tpu.memory_space<hbm>> -> memref<1x1x128x64xf32, #tpu.memory_space<hbm>>
    %dma_wait3A_290 = tpu.memref_squeeze %dma_wait3A_289 : memref<1x1x128x64xf32, #tpu.memory_space<hbm>> -> memref<128x64xf32, #tpu.memory_space<hbm>>
    %dma_wait3A_291 = tpu.memref_slice %arg8[%dma_wait3A_282] : memref<10x!tpu.dma_semaphore, #tpu.memory_space<semaphore_mem>> -> memref<1x!tpu.dma_semaphore, #tpu.memory_space<semaphore_mem>>
    %dma_wait3A_292 = tpu.memref_squeeze %dma_wait3A_291 : memref<1x!tpu.dma_semaphore, #tpu.memory_space<semaphore_mem>> -> memref<!tpu.dma_semaphore, #tpu.memory_space<semaphore_mem>>
    %dma_wait3A_293 = arith.constant 0 : i32
    %dma_wait3A_294 = arith.constant 0 : i32
    %dma_wait3A_295 = tpu.memref_slice %arg4[%add3A, %dma_wait3A_281, %dma_wait3A_293, %dma_wait3A_294] : memref<32x200x128x64xf32, #tpu.memory_space<hbm>> -> memref<1x1x128x64xf32, #tpu.memory_space<hbm>>
    %dma_wait3A_296 = tpu.memref_squeeze %dma_wait3A_295 : memref<1x1x128x64xf32, #tpu.memory_space<hbm>> -> memref<128x64xf32, #tpu.memory_space<hbm>>
    %dma_wait3A_297 = arith.constant 0 : i32
    %dma_wait3A_298 = arith.constant 0 : i32
    %dma_wait3A_299 = tpu.memref_slice %arg6[%dma_wait3A_280, %dma_wait3A_297, %dma_wait3A_298] : memref<10x128x64xf32, #tpu.memory_space<vmem>> -> memref<1x128x64xf32, #tpu.memory_space<vmem>>
    %dma_wait3A_300 = tpu.memref_squeeze %dma_wait3A_299 : memref<1x128x64xf32, #tpu.memory_space<vmem>> -> memref<128x64xf32, #tpu.memory_space<vmem>>
    tpu.wait_dma2 semaphore(%dma_wait3A_292 : memref<!tpu.dma_semaphore, #tpu.memory_space<semaphore_mem>>) src(%dma_wait3A_300 : memref<128x64xf32, #tpu.memory_space<vmem>>) dst(%dma_wait3A_296 : memref<128x64xf32, #tpu.memory_space<hbm>>)
    %dma_wait3A_301 = arith.constant 7 : i32
    %dma_wait3A_302 = arith.constant 197 : i32
    %dma_wait3A_303 = arith.constant 7 : i32
    %dma_wait3A_304 = arith.constant 0 : i32
    %dma_wait3A_305 = arith.constant 0 : i32
    %dma_wait3A_306 = tpu.memref_slice %arg6[%dma_wait3A_301, %dma_wait3A_304, %dma_wait3A_305] : memref<10x128x64xf32, #tpu.memory_space<vmem>> -> memref<1x128x64xf32, #tpu.memory_space<vmem>>
    %dma_wait3A_307 = tpu.memref_squeeze %dma_wait3A_306 : memref<1x128x64xf32, #tpu.memory_space<vmem>> -> memref<128x64xf32, #tpu.memory_space<vmem>>
    %dma_wait3A_308 = arith.constant 0 : i32
    %dma_wait3A_309 = arith.constant 0 : i32
    %dma_wait3A_310 = tpu.memref_slice %arg4[%add3A, %dma_wait3A_302, %dma_wait3A_308, %dma_wait3A_309] : memref<32x200x128x64xf32, #tpu.memory_space<hbm>> -> memref<1x1x128x64xf32, #tpu.memory_space<hbm>>
    %dma_wait3A_311 = tpu.memref_squeeze %dma_wait3A_310 : memref<1x1x128x64xf32, #tpu.memory_space<hbm>> -> memref<128x64xf32, #tpu.memory_space<hbm>>
    %dma_wait3A_312 = tpu.memref_slice %arg8[%dma_wait3A_303] : memref<10x!tpu.dma_semaphore, #tpu.memory_space<semaphore_mem>> -> memref<1x!tpu.dma_semaphore, #tpu.memory_space<semaphore_mem>>
    %dma_wait3A_313 = tpu.memref_squeeze %dma_wait3A_312 : memref<1x!tpu.dma_semaphore, #tpu.memory_space<semaphore_mem>> -> memref<!tpu.dma_semaphore, #tpu.memory_space<semaphore_mem>>
    %dma_wait3A_314 = arith.constant 0 : i32
    %dma_wait3A_315 = arith.constant 0 : i32
    %dma_wait3A_316 = tpu.memref_slice %arg4[%add3A, %dma_wait3A_302, %dma_wait3A_314, %dma_wait3A_315] : memref<32x200x128x64xf32, #tpu.memory_space<hbm>> -> memref<1x1x128x64xf32, #tpu.memory_space<hbm>>
    %dma_wait3A_317 = tpu.memref_squeeze %dma_wait3A_316 : memref<1x1x128x64xf32, #tpu.memory_space<hbm>> -> memref<128x64xf32, #tpu.memory_space<hbm>>
    %dma_wait3A_318 = arith.constant 0 : i32
    %dma_wait3A_319 = arith.constant 0 : i32
    %dma_wait3A_320 = tpu.memref_slice %arg6[%dma_wait3A_301, %dma_wait3A_318, %dma_wait3A_319] : memref<10x128x64xf32, #tpu.memory_space<vmem>> -> memref<1x128x64xf32, #tpu.memory_space<vmem>>
    %dma_wait3A_321 = tpu.memref_squeeze %dma_wait3A_320 : memref<1x128x64xf32, #tpu.memory_space<vmem>> -> memref<128x64xf32, #tpu.memory_space<vmem>>
    tpu.wait_dma2 semaphore(%dma_wait3A_313 : memref<!tpu.dma_semaphore, #tpu.memory_space<semaphore_mem>>) src(%dma_wait3A_321 : memref<128x64xf32, #tpu.memory_space<vmem>>) dst(%dma_wait3A_317 : memref<128x64xf32, #tpu.memory_space<hbm>>)
    %dma_wait3A_322 = arith.constant 8 : i32
    %dma_wait3A_323 = arith.constant 198 : i32
    %dma_wait3A_324 = arith.constant 8 : i32
    %dma_wait3A_325 = arith.constant 0 : i32
    %dma_wait3A_326 = arith.constant 0 : i32
    %dma_wait3A_327 = tpu.memref_slice %arg6[%dma_wait3A_322, %dma_wait3A_325, %dma_wait3A_326] : memref<10x128x64xf32, #tpu.memory_space<vmem>> -> memref<1x128x64xf32, #tpu.memory_space<vmem>>
    %dma_wait3A_328 = tpu.memref_squeeze %dma_wait3A_327 : memref<1x128x64xf32, #tpu.memory_space<vmem>> -> memref<128x64xf32, #tpu.memory_space<vmem>>
    %dma_wait3A_329 = arith.constant 0 : i32
    %dma_wait3A_330 = arith.constant 0 : i32
    %dma_wait3A_331 = tpu.memref_slice %arg4[%add3A, %dma_wait3A_323, %dma_wait3A_329, %dma_wait3A_330] : memref<32x200x128x64xf32, #tpu.memory_space<hbm>> -> memref<1x1x128x64xf32, #tpu.memory_space<hbm>>
    %dma_wait3A_332 = tpu.memref_squeeze %dma_wait3A_331 : memref<1x1x128x64xf32, #tpu.memory_space<hbm>> -> memref<128x64xf32, #tpu.memory_space<hbm>>
    %dma_wait3A_333 = tpu.memref_slice %arg8[%dma_wait3A_324] : memref<10x!tpu.dma_semaphore, #tpu.memory_space<semaphore_mem>> -> memref<1x!tpu.dma_semaphore, #tpu.memory_space<semaphore_mem>>
    %dma_wait3A_334 = tpu.memref_squeeze %dma_wait3A_333 : memref<1x!tpu.dma_semaphore, #tpu.memory_space<semaphore_mem>> -> memref<!tpu.dma_semaphore, #tpu.memory_space<semaphore_mem>>
    %dma_wait3A_335 = arith.constant 0 : i32
    %dma_wait3A_336 = arith.constant 0 : i32
    %dma_wait3A_337 = tpu.memref_slice %arg4[%add3A, %dma_wait3A_323, %dma_wait3A_335, %dma_wait3A_336] : memref<32x200x128x64xf32, #tpu.memory_space<hbm>> -> memref<1x1x128x64xf32, #tpu.memory_space<hbm>>
    %dma_wait3A_338 = tpu.memref_squeeze %dma_wait3A_337 : memref<1x1x128x64xf32, #tpu.memory_space<hbm>> -> memref<128x64xf32, #tpu.memory_space<hbm>>
    %dma_wait3A_339 = arith.constant 0 : i32
    %dma_wait3A_340 = arith.constant 0 : i32
    %dma_wait3A_341 = tpu.memref_slice %arg6[%dma_wait3A_322, %dma_wait3A_339, %dma_wait3A_340] : memref<10x128x64xf32, #tpu.memory_space<vmem>> -> memref<1x128x64xf32, #tpu.memory_space<vmem>>
    %dma_wait3A_342 = tpu.memref_squeeze %dma_wait3A_341 : memref<1x128x64xf32, #tpu.memory_space<vmem>> -> memref<128x64xf32, #tpu.memory_space<vmem>>
    tpu.wait_dma2 semaphore(%dma_wait3A_334 : memref<!tpu.dma_semaphore, #tpu.memory_space<semaphore_mem>>) src(%dma_wait3A_342 : memref<128x64xf32, #tpu.memory_space<vmem>>) dst(%dma_wait3A_338 : memref<128x64xf32, #tpu.memory_space<hbm>>)
    %dma_wait3A_343 = arith.constant 9 : i32
    %dma_wait3A_344 = arith.constant 199 : i32
    %dma_wait3A_345 = arith.constant 9 : i32
    %dma_wait3A_346 = arith.constant 0 : i32
    %dma_wait3A_347 = arith.constant 0 : i32
    %dma_wait3A_348 = tpu.memref_slice %arg6[%dma_wait3A_343, %dma_wait3A_346, %dma_wait3A_347] : memref<10x128x64xf32, #tpu.memory_space<vmem>> -> memref<1x128x64xf32, #tpu.memory_space<vmem>>
    %dma_wait3A_349 = tpu.memref_squeeze %dma_wait3A_348 : memref<1x128x64xf32, #tpu.memory_space<vmem>> -> memref<128x64xf32, #tpu.memory_space<vmem>>
    %dma_wait3A_350 = arith.constant 0 : i32
    %dma_wait3A_351 = arith.constant 0 : i32
    %dma_wait3A_352 = tpu.memref_slice %arg4[%add3A, %dma_wait3A_344, %dma_wait3A_350, %dma_wait3A_351] : memref<32x200x128x64xf32, #tpu.memory_space<hbm>> -> memref<1x1x128x64xf32, #tpu.memory_space<hbm>>
    %dma_wait3A_353 = tpu.memref_squeeze %dma_wait3A_352 : memref<1x1x128x64xf32, #tpu.memory_space<hbm>> -> memref<128x64xf32, #tpu.memory_space<hbm>>
    %dma_wait3A_354 = tpu.memref_slice %arg8[%dma_wait3A_345] : memref<10x!tpu.dma_semaphore, #tpu.memory_space<semaphore_mem>> -> memref<1x!tpu.dma_semaphore, #tpu.memory_space<semaphore_mem>>
    %dma_wait3A_355 = tpu.memref_squeeze %dma_wait3A_354 : memref<1x!tpu.dma_semaphore, #tpu.memory_space<semaphore_mem>> -> memref<!tpu.dma_semaphore, #tpu.memory_space<semaphore_mem>>
    %dma_wait3A_356 = arith.constant 0 : i32
    %dma_wait3A_357 = arith.constant 0 : i32
    %dma_wait3A_358 = tpu.memref_slice %arg4[%add3A, %dma_wait3A_344, %dma_wait3A_356, %dma_wait3A_357] : memref<32x200x128x64xf32, #tpu.memory_space<hbm>> -> memref<1x1x128x64xf32, #tpu.memory_space<hbm>>
    %dma_wait3A_359 = tpu.memref_squeeze %dma_wait3A_358 : memref<1x1x128x64xf32, #tpu.memory_space<hbm>> -> memref<128x64xf32, #tpu.memory_space<hbm>>
    %dma_wait3A_360 = arith.constant 0 : i32
    %dma_wait3A_361 = arith.constant 0 : i32
    %dma_wait3A_362 = tpu.memref_slice %arg6[%dma_wait3A_343, %dma_wait3A_360, %dma_wait3A_361] : memref<10x128x64xf32, #tpu.memory_space<vmem>> -> memref<1x128x64xf32, #tpu.memory_space<vmem>>
    %dma_wait3A_363 = tpu.memref_squeeze %dma_wait3A_362 : memref<1x128x64xf32, #tpu.memory_space<vmem>> -> memref<128x64xf32, #tpu.memory_space<vmem>>
    tpu.wait_dma2 semaphore(%dma_wait3A_355 : memref<!tpu.dma_semaphore, #tpu.memory_space<semaphore_mem>>) src(%dma_wait3A_363 : memref<128x64xf32, #tpu.memory_space<vmem>>) dst(%dma_wait3A_359 : memref<128x64xf32, #tpu.memory_space<hbm>>)
    return
  }
}

module attributes {stable_mosaic.version = 14 : i64} {
  func.func @fmt_kernel(%arg0: i32, %arg1: i32, %arg2: memref<1024x128xf32, #tpu.memory_space<vmem>>, %arg3: memref<1x8x16x8x128xf32, #tpu.memory_space<vmem>>) attributes {dimension_semantics = [#tpu.dimension_semantics<arbitrary>, #tpu.dimension_semantics<arbitrary>], iteration_bounds = array<i64: 50, 8>, scalar_prefetch = 0 : i64, scratch_operands = 0 : i64, tpu.core_type = #tpu.core_type<tc>, window_params = [{transform_indices = @transform_0, window_bounds = array<i64: 1024, 128>}, {transform_indices = @transform_1, window_bounds = array<i64: 1, 8, 16, 8, 128>}]} {
    %get3A = arith.constant 0 : index
    %get3A_0 = arith.constant 0 : index
    %get3A_1 = vector.load %arg2[%get3A, %get3A_0] : memref<1024x128xf32, #tpu.memory_space<vmem>>, vector<1024x128xf32>
    %reshape3A = vector.shape_cast %get3A_1 : vector<1024x128xf32> to vector<16x64x128xf32>
    %transpose3A = tpu.transpose %reshape3A, [0, 2, 1] : vector<16x64x128xf32> -> vector<16x128x64xf32>
    %slice3A = vector.extract_strided_slice %transpose3A {offsets = [0, 0, 0], sizes = [16, 64, 64], strides = [1, 1, 1]} : vector<16x128x64xf32> to vector<16x64x64xf32>
    %slice3A_2 = vector.extract_strided_slice %transpose3A {offsets = [0, 64, 0], sizes = [16, 64, 64], strides = [1, 1, 1]} : vector<16x128x64xf32> to vector<16x64x64xf32>
    %concatenate3A = tpu.concatenate %slice3A, %slice3A_2 in 2 : vector<16x64x64xf32>, vector<16x64x64xf32> -> vector<16x64x128xf32>
    %reshape3A_3 = vector.shape_cast %concatenate3A : vector<16x64x128xf32> to vector<16x8x8x128xf32>
    %transpose3A_4 = tpu.transpose %reshape3A_3, [1, 0, 2, 3] : vector<16x8x8x128xf32> -> vector<8x16x8x128xf32>
    %swap3A = arith.constant 0 : index
    %swap3A_5 = arith.constant 0 : index
    %swap3A_6 = arith.constant 0 : index
    %swap3A_7 = arith.constant 0 : index
    %swap3A_8 = arith.constant 0 : index
    %swap3A_9 = vector.load %arg3[%swap3A, %swap3A_5, %swap3A_6, %swap3A_7, %swap3A_8] : memref<1x8x16x8x128xf32, #tpu.memory_space<vmem>>, vector<1x8x16x8x128xf32>
    %swap3A_10 = vector.shape_cast %swap3A_9 : vector<1x8x16x8x128xf32> to vector<8x16x8x128xf32>
    %swap3A_11 = vector.shape_cast %transpose3A_4 : vector<8x16x8x128xf32> to vector<1x8x16x8x128xf32>
    tpu.vector_store %arg3[%swap3A, %swap3A_5, %swap3A_6, %swap3A_7, %swap3A_8], %swap3A_11 {strides = array<i32>} : memref<1x8x16x8x128xf32, #tpu.memory_space<vmem>>, vector<1x8x16x8x128xf32>,
    return
  }
  func.func @transform_0(%arg0: i32, %arg1: i32) -> (i32, i32) {
    %mul3A = arith.constant 8 : i32
    %mul3A_0 = arith.muli %arg0, %mul3A : i32
    %add3A = arith.addi %mul3A_0, %arg1 : i32
    %c0_i32 = arith.constant 0 : i32
    %c0_i32_1 = arith.constant 0 : i32
    return %add3A, %c0_i32 : i32, i32
  }
  func.func @transform_1(%arg0: i32, %arg1: i32) -> (i32, i32, i32, i32, i32) {
    %c0_i32 = arith.constant 0 : i32
    %c0_i32_0 = arith.constant 0 : i32
    %c0_i32_1 = arith.constant 0 : i32
    %c0_i32_2 = arith.constant 0 : i32
    return %arg0, %c0_i32, %arg1, %c0_i32_0, %c0_i32_1 : i32, i32, i32, i32, i32
  }
}

</mosaic_0001>

<sc_bundles>
// kernel: kernel.4.cloned.1.call-start
scs
__scs_entry_jumppad:
0x0: {  	(pc) =	sbr.rel $0x88, $3  }
0x1: {  	(tag) =	ssettag $0x0;
	lr =	simm.s32 $0x1  }
0x2: {  	[smem:$0x3F9F] =	sst lr;
	_ =	strace $0xD0000000  }
0x3: {  	_ = 	snop  }
0x4: {  	_ = 	snop  }
0x5: {  	_ = 	snop  }
0x6: {  	_ = 	snop  }
0x7: {  	_ = 	snop  }
__scs_overlays_trampoline_lowered:
0x8: {  	[smem:$0x3FAE] =	sst s0  }
0x9: {  	[smem:$0x3FAF] =	sst s1  }
0xa: {  	[smem:$0x3FB0] =	sst s2  }
0xb: {  	[smem:$0x3FB1] =	sst s3  }
0xc: {  	[smem:$0x3FB2] =	sst s4  }
0xd: {  	[smem:$0x3FB3] =	sst s5  }
0xe: {  	[smem:$0x3FB4] =	sst s6  }
0xf: {  	[smem:$0x3FB5] =	sst s7  }
0x10: {  	[smem:$0x3FB6] =	sst s8  }
0x11: {  	[smem:$0x3FB7] =	sst s9;
	s0 =	simm.s32 @!p0 $0x0  }
0x12: {  	s1 =	sld [smem:$0x3F9D];
	s0 =	simm.s32 @p0 $0x1  }
0x13: {  	[smem:$0x3FB8] =	sst s0;
	s0 =	simm.s32 @!p1 $0x0  }
0x14: {  	s2 =	sld [smem:$0x3F9C];
	s0 =	simm.s32 @p1 $0x1  }
0x15: {  	[smem:$0x3FB9] =	sst s0;
	s0 =	simm.s32 @!p2 $0x0  }
0x16: {  	s3 =	sld [smem:$0x3FDB];
	s0 =	simm.s32 @p2 $0x1  }
0x17: {  	s4 =	simm.s32 $0x1BF5;
	[smem:$0x3FBB] =	sst s0  }
0x18: {  	s0 =	sld [smem:$0x3F9E];
	_ =	swait.ge [sflag:s4], $0x0  }
0x19: {  	s7 =	sld [smem:$0x3F9F]  }
0x1a: {  	s8 =	sadd.s32 $0xFFFFE003, lr  }
0x1b: {  	s9 =	sadd.s32 $0xFFFFFEF7, lr;
	s5 =	simm.s32 $0xFFFFFFFF;
	p2 =	slt.u32 s8, $0xFFFFF086  }
0x1c: {  	p1 =	slt.u32 s9, $0xF7A;
	s5 =	simm.s32 @!p2 $0x0  }
0x1d: {  	s5 =	simm.s32 @p1 $0x1;
	p0 =	seq.s32 s7, s2  }
0x1e: {  	s7 =	smul.u32 @!p0 $0xF7A, s2;
	p2 =	seq.s32 @!p0 s5, $0x0  }
0x1f: {  	s9 =	smul.u32 $0xF7A, s1;
	s8 =	simm.s32 @!p0 $0x1BF5;
	p2 =	por !p2, p0  }
0x20: {  	[sflag:s8] =	ssyncset.s32 @!p0 $0xFFFFF086;
	s6 =	sadd.s32 @!p0 s3, s7;
	s7 =	simm.s32 @!p0 $0x108  }
0x21: {  	s3 =	sadd.s32 s3, s9;
	s6 =	sadd.s32 @!p0 $0x88, s6;
	s7 =	simm.s32 @p2 $0x1082  }
0x22: {  	[simem:s7], [sflag:s8] =	dma.local @!p0 [hbm:s6], $0xF7A  }
0x23: {  	s9 =	sor.u32 $0xD0000000, s2;
	s6 =	simm.s32 $0x108;
	_ =	swait.ge @!p0 [sflag:s8], $0x0  }
0x24: {  	s3 =	sadd.s32 $0x88, s3;
	s6 =	simm.s32 @!p1 $0x1082;
	[sflag:s4] =	ssyncset.s32 $0xFFFFF086  }
0x25: {  	[simem:s6], [sflag:s4] =	dma.local [hbm:s3], $0xF7A  }
0x26: {  	[smem:$0x3F9F] =	sst s1;
	(tag) =	ssettag s2;
	_ =	strace s9  }
0x27: {  	s1 =	sld [smem:$0x3FAF]  }
0x28: {  	s2 =	sld [smem:$0x3FB0]  }
0x29: {  	s4 =	sld [smem:$0x3FB2]  }
0x2a: {  	p0 =	seq.s32 s5, $0x0;
	s5 =	sld [smem:$0x3FB3]  }
0x2b: {  	s6 =	sld [smem:$0x3FB4]  }
0x2c: {  	s7 =	sld [smem:$0x3FB5]  }
0x2d: {  	s3 =	simm.s32 $0x108;
	s8 =	sld [smem:$0x3FB6]  }
0x2e: {  	s3 =	simm.s32 @!p0 $0x1082;
	s9 =	sld [smem:$0x3FB7]  }
0x2f: {  	lr =	sadd.s32 s0, s3;
	s0 =	sld [smem:$0x3FAE]  }
0x30: {  	s3 =	sld [smem:$0x3FB1]  }
0x31: {  	[smem:$0x3FBA] =	sst s10  }
0x32: {  	s10 =	sld [smem:$0x3FB8];
	_ =	sdelay $0x3  }
0x33: {  	p0 =	seq.s32 s10, $0x1;
	s10 =	sld [smem:$0x3FBA];
	_ =	sdelay $0x3  }
0x34: {  	[smem:$0x3FBA] =	sst s10  }
0x35: {  	s10 =	sld [smem:$0x3FB9];
	_ =	sdelay $0x3  }
0x36: {  	p1 =	seq.s32 s10, $0x1;
	s10 =	sld [smem:$0x3FBA];
	_ =	sdelay $0x3  }
0x37: {  	[smem:$0x3FBA] =	sst s10  }
0x38: {  	s10 =	sld [smem:$0x3FBB]  }
0x39: {  	_ = 	snop;
	(pc) =	sbr.ind lr, $3  }
0x3a: {  	_ = 	snop  }
0x3b: {  	_ = 	snop  }
0x3c: {  	p2 =	seq.s32 s10, $0x1;
	s10 =	sld [smem:$0x3FBA]  }
0x3d: {  	_ =	shalt  }
0x3e: {  	_ =	shalt  }
0x3f: {  	_ =	shalt  }
0x40: {  	_ =	shalt  }
0x41: {  	_ =	shalt  }
0x42: {  	_ =	shalt  }
0x43: {  	_ =	shalt  }
0x44: {  	_ =	shalt  }
0x45: {  	_ =	shalt  }
0x46: {  	_ =	shalt  }
0x47: {  	_ =	shalt  }
0x48: {  	_ =	shalt  }
0x49: {  	_ =	shalt  }
0x4a: {  	_ =	shalt  }
0x4b: {  	_ =	shalt  }
0x4c: {  	_ =	shalt  }
0x4d: {  	_ =	shalt  }
0x4e: {  	_ =	shalt  }
0x4f: {  	_ =	shalt  }
0x50: {  	_ =	shalt  }
0x51: {  	_ =	shalt  }
0x52: {  	_ =	shalt  }
0x53: {  	_ =	shalt  }
0x54: {  	_ =	shalt  }
0x55: {  	_ =	shalt  }
0x56: {  	_ =	shalt  }
0x57: {  	_ =	shalt  }
0x58: {  	_ =	shalt  }
0x59: {  	_ =	shalt  }
0x5a: {  	_ =	shalt  }
0x5b: {  	_ =	shalt  }
0x5c: {  	_ =	shalt  }
0x5d: {  	_ =	shalt  }
0x5e: {  	_ =	shalt  }
0x5f: {  	_ =	shalt  }
0x60: {  	_ =	shalt  }
0x61: {  	_ =	shalt  }
0x62: {  	_ =	shalt  }
0x63: {  	_ =	shalt  }
0x64: {  	_ =	shalt  }
0x65: {  	_ =	shalt  }
0x66: {  	_ =	shalt  }
0x67: {  	_ =	shalt  }
0x68: {  	_ =	shalt  }
0x69: {  	_ =	shalt  }
0x6a: {  	_ =	shalt  }
0x6b: {  	_ =	shalt  }
0x6c: {  	_ =	shalt  }
0x6d: {  	_ =	shalt  }
0x6e: {  	_ =	shalt  }
0x6f: {  	_ =	shalt  }
0x70: {  	_ =	shalt  }
0x71: {  	_ =	shalt  }
0x72: {  	_ =	shalt  }
0x73: {  	_ =	shalt  }
0x74: {  	_ =	shalt  }
0x75: {  	_ =	shalt  }
0x76: {  	_ =	shalt  }
0x77: {  	_ =	shalt  }
0x78: {  	_ =	shalt  }
0x79: {  	_ =	shalt  }
0x7a: {  	_ =	shalt  }
0x7b: {  	_ =	shalt  }
0x7c: {  	_ =	shalt  }
0x7d: {  	_ =	shalt  }
0x7e: {  	_ =	shalt  }
0x7f: {  	_ =	shalt  }
0x80: {  	_ =	shalt  }
0x81: {  	_ =	shalt  }
0x82: {  	_ =	shalt  }
0x83: {  	_ =	shalt  }
0x84: {  	_ =	shalt  }
0x85: {  	_ =	shalt  }
0x86: {  	_ =	shalt  }
0x87: {  	_ =	shalt  }
.Lfunc_end0:
.L_simem_size_0:
called_computation_lowered:
.L_overlay_start_0:
0x88: {  	s2 =	sld [smem:$0x3FD9]  }
0x89: {  	s3 =	sld [smem:$0x3FFE];
	_ =	sdelay $0x1  }
0x8a: {  	s1 =	srdreg.scid  }
0x8b: {  	s0 =	sand.u32 $0x1, s1  }
0x8c: {  	s17 =	sshll.u32 s0, $0xA;
	s2 =	sadd.s32 s3, s2  }
0x8d: {  	s2 =	sadd.s32 s2, s17  }
0x8e: {  	[smem:$0x3FC6] =	sst s2  }
0x8f: {  	_ = 	snop  }
0x90: {  	s2 =	sld [smem:$0x3FD0];
	(tm) =	ssettm $0x1  }
0x91: {  	s18 =	sld [smem:$0x3FFB];
	_ =	sdelay $0x3  }
0x92: {  	_ =	strace s18  }
0x93: {  	s3 =	sld [smem:$0x3FFC];
	_ =	sdelay $0x3  }
0x94: {  	_ =	strace s3  }
0x95: {  	s3 =	sld [smem:$0x3FFD];
	_ =	sdelay $0x3  }
0x96: {  	_ =	strace s3  }
0x97: {  	_ =	strace $0x8FFFFFFF  }
0x98: {  	s19 =	sld [smem:$0x3FDB];
	_ =	sdelay $0x1  }
0x99: {  	s4 =	simm.s32 $_scs_section_size  }
0x9a: {  	s5 =	simm.s32 $_size__tile_overlayer_lowered;
	s6 =	simm.s32 $_tile_overlayer_lowered  }
0x9b: {  	s22 =	simm.s32 $0x1BFF;
	s21 =	sshll.u32 s6, $0x1;
	s3 =	sadd.s32 s4, s19  }
0x9c: {  	s7 =	simm.s32 $0x0;
	s20 =	sshll.u32 s5, $0x1;
	s5 =	sadd.s32 s21, s3  }
0x9d: {  	[timem:s7], [sflag:s22] =	dma.local [hbm:s5], s20  }
0x9e: {  	_ =	swait.ge [sflag:s22], s20  }
0x9f: {  	s4 =	ssub.s32 $0x0, s20;
	[sflag:s22] =	ssyncset.done $0x0  }
0xa0: {  	[sflag:s22] =	ssyncadd.s32 s4;
	_ =	sdelay $0x1  }
0xa1: {  	s23 =	simm.s32 $0x1B8B  }
0xa2: {  	_ =	swait.ge [sflag:s23], $0x1  }
0xa3: {  	[sflag:s23] =	ssyncset.done $0x0  }
0xa4: {  	s25 =	simm.s32 $0x1B8E;
	s24 =	sld [smem:$0x3FFE];
	[sflag:s23] =	ssyncadd.s32 $0xFFFFFFFF  }
0xa5: {  	s26 =	simm.s32 $execute0_lowered;
	[smem:$0x3FD2] =	sst s25  }
0xa6: {  	s5 =	sshll.u32 s26, $0x1;
	_ =	strace $0x80000046;
	[dreg:$0x1] =	wrdreg $0xFFFFFFFF  }
0xa7: {  	s28 =	simm.s32 $_size_execute0_lowered;
	s3 =	sadd.s32 s3, s5;
	[dreg:$0x0] =	wrdreg $0x0  }
0xa8: {  	s5 =	sshll.u32 s28, $0x1;
	[dreg:$0x2] =	wrdreg s3  }
0xa9: {  	[dreg:$0x3] =	wrdreg s5  }
0xaa: {  	[dreg:$0x4] =	wrdreg $0xC0  }
0xab: {  	_ =	task [dreg:s7], $0x5FFFF  }
0xac: {  	[dreg:$0x1] =	wrdreg $0xFFFFFFFF  }
0xad: {  	[dreg:$0x0] =	wrdreg $0x60  }
0xae: {  	[dreg:$0x2] =	wrdreg s2  }
0xaf: {  	[dreg:$0x3] =	wrdreg s24  }
0xb0: {  	[dreg:$0x4] =	wrdreg $0x9  }
0xb1: {  	_ =	task.clear_ibuf [dreg:s7], $0x5FFFF;
	_ =	strace $0x90000046  }
0xb2: {  	s29 =	simm.s32 $0x9;
	_ =	strace $0x80000048  }
0xb3: {  	_ =	swait.ge [sflag:s29], $0x1  }
0xb4: {  	[sflag:s29] =	ssyncadd.s32 $0xFFFFFFFF  }
0xb5: {  	_ =	strace $0x90000048  }
0xb6: {  	_ =	sfence  }
0xb7: {  	s30 =	sld [smem:$0x0];
	_ =	sdelay $0x2  }
0xb8: {  	s31 =	sshll.u32 s1, $0xD;
	s1 =	sshrl.u32 s1, $0x2  }
0xb9: {  	s3 =	sand.u32 $0x4000, s31;
	s1 =	sadd.s32 s1, s30  }
0xba: {  	s0 =	sor.u32 s3, s0;
	s1 =	sshll.u32 s1, $0x11  }
0xbb: {  	s0 =	sor.u32 s1, s0  }
0xbc: {  	s0 =	sadd.s32 $0x8F2B, s0  }
0xbd: {  	[sflag:s0] =	ssyncadd.remote.s32 $0x1  }
0xbe: {  	_ =	sfence.sel $0xFFFF  }
0xbf: {  	[dreg:$0x0] =	wrdreg $0xFFFFFFFF;
	(pc) =	sbr.abs _section_cstart, $3  }
0xc0: {  	[dreg:$0x1] =	wrdreg $0xFFFFFFFF  }
0xc1: {  	_ =	task.clear_ibuf [dreg:s7], $0x2FFFF;
	_ =	strace $0x9FFFFFFF  }
0xc2: {  	(tm) =	ssettm $0x7FFFFFFF  }
0xc3: {  	_ =	shalt  }
tec
execute0_lowered:
.L_overlay_start_1:
0x0: {  	(tag) =	ssettag $0x1  }
0x1: {  	s0 =	srdreg.scid  }
0x2: {  	s7 =	stileid.u32;
	s1 =	rddreg [dreg:$0x0]  }
0x3: {  	s4 =	rddreg [dreg:$0x1];
	s29 =	simm.s32 $0x6400;
	s31 =	simm.s32 $0x8400  }
0x4: {  	s28 =	simm.s32 $0x12400;
	s0 =	sand.u32 $0x1, s0;
	s2 =	sshll.u32 s7, $0x1  }
0x5: {  	s30 =	simm.s32 $0x16400;
	s7 =	smul.u32 $0x320000, s7;
	s3 =	sor.u32 s0, s2  }
0x6: {  	s2 =	simm.s32 $0x0;
	s6 =	ssub.s32 $0x2, s0;
	s0 =	smul.u32 $0x190000, s0  }
0x7: {  	s9 =	simm.s32 $0xB;
	s5 =	smul.u32 $0xC80, s3;
	[smem:$0x7FF] =	sst s2  }
0x8: {  	s8 =	sshrl.u32 s6, $0x1;
	s3 =	sadd.s32 $0xF42A00, s4;
	s4 =	sadd.s32 $0x600, s4  }
0x9: {  	_ =	strace $0x80000047;
	[dreg:$0x3] =	wrdreg s4;
	s10 =	ssub.s32 s6, s8  }
0xa: {  	s0 =	sadd.s32 s0, s7;
	s4 =	simm.s32 $0x6;
	s6 =	simm.s32 $0x7  }
0xb: {  	s7 =	simm.s32 $0x9;
	s8 =	simm.s32 $0xA;
	s1 =	sadd.s32 s1, s5  }
0xc: {  	s11 =	smax.u32 s10, $0x1;
	s12 =	sadd.s32 $0x12000, s0;
	s13 =	sadd.s32 $0x10000, s0  }
0xd: {  	s14 =	sor.u32 $0xE000, s0;
	s17 =	sor.u32 $0xC000, s0;
	s18 =	sor.u32 $0xA000, s0  }
0xe: {  	s19 =	sor.u32 $0x8000, s0;
	s22 =	sor.u32 $0x6000, s0;
	s23 =	sor.u32 $0x4000, s0  }
0xf: {  	s24 =	sor.u32 $0x2000, s0;
	s0 =	sshrl.u32 s0, $0x3;
	[dreg:$0x4] =	wrdreg s1  }
0x10: {  	s5 =	simm.s32 $0x5;
	s10 =	simm.s32 $0xC;
	[dreg:$0x5] =	wrdreg s11  }
0x11: {  	s1 =	sshrl.u32 s12, $0x3;
	s15 =	sshrl.u32 s13, $0x3;
	s16 =	sshrl.u32 s14, $0x3  }
0x12: {  	s20 =	sshrl.u32 s18, $0x3;
	s21 =	sshrl.u32 s19, $0x3;
	[dreg:$0xf] =	wrdreg s0  }
0x13: {  	s25 =	sshrl.u32 s23, $0x3;
	s26 =	sshrl.u32 s24, $0x3;
	[dreg:$0x6] =	wrdreg s1  }
0x14: {  	s18 =	simm.s32 $0x80;
	s0 =	simm.s32 $0xA400;
	[dreg:$0x7] =	wrdreg s15  }
0x15: {  	s23 =	simm.s32 $0xC400;
	s24 =	simm.s32 $0xE400;
	[dreg:$0x8] =	wrdreg s16  }
0x16: {  	s11 =	simm.s32 $0xD;
	s12 =	simm.s32 $0xE;
	[dreg:$0xa] =	wrdreg s20  }
0x17: {  	s13 =	simm.s32 $0xF;
	s14 =	simm.s32 $0x10;
	[dreg:$0xb] =	wrdreg s21  }
0x18: {  	s19 =	simm.s32 $0x13;
	s1 =	sshrl.u32 s17, $0x3;
	[dreg:$0xd] =	wrdreg s25  }
.Ltmp0:
0x19: {  	[dreg:$0xe] =	wrdreg s26;
	s26 =	simm.s32 $0x10400;
	(pc) =	sbr.rel .LBB2_1-.Ltmp0, $4  }
0x1a: {  	s21 =	simm.s32 $0x3;
	s25 =	simm.s32 $0x4;
	s17 =	simm.s32 $0x8  }
0x1b: {  	s15 =	simm.s32 $0x11;
	[dreg:$0x9] =	wrdreg s1;
	s1 =	sshrl.u32 s22, $0x3  }
0x1c: {  	s16 =	simm.s32 $0x12;
	s22 =	simm.s32 $0x0;
	[dreg:$0xc] =	wrdreg s1  }
0x1d: {  	s20 =	simm.s32 $0x14;
	s1 =	simm.s32 $0x14400;
	[dreg:$0x10] =	wrdreg s22  }
.LBB2_4:
0x1e: {  	_ =	swait.ge [sflag:s10], $0x2000  }
0x1f: {  	[sflag:s10] =	ssyncset.done $0x0  }
0x20: {  	[sflag:s10] =	ssyncadd.s32 $0xFFFFE000  }
0x21: {  	_ =	swait.ge [sflag:s11], $0x2000  }
0x22: {  	[sflag:s11] =	ssyncset.done $0x0  }
0x23: {  	[sflag:s11] =	ssyncadd.s32 $0xFFFFE000  }
0x24: {  	_ =	swait.ge [sflag:s12], $0x2000  }
0x25: {  	[sflag:s12] =	ssyncset.done $0x0  }
0x26: {  	[sflag:s12] =	ssyncadd.s32 $0xFFFFE000  }
0x27: {  	_ =	swait.ge [sflag:s13], $0x2000  }
0x28: {  	[sflag:s13] =	ssyncset.done $0x0  }
0x29: {  	[sflag:s13] =	ssyncadd.s32 $0xFFFFE000  }
0x2a: {  	_ =	swait.ge [sflag:s14], $0x2000  }
0x2b: {  	[sflag:s14] =	ssyncset.done $0x0  }
0x2c: {  	[sflag:s14] =	ssyncadd.s32 $0xFFFFE000  }
0x2d: {  	_ =	swait.ge [sflag:s15], $0x2000  }
0x2e: {  	[sflag:s15] =	ssyncset.done $0x0  }
0x2f: {  	[sflag:s15] =	ssyncadd.s32 $0xFFFFE000  }
0x30: {  	_ =	swait.ge [sflag:s16], $0x2000  }
0x31: {  	[sflag:s16] =	ssyncset.done $0x0  }
0x32: {  	[sflag:s16] =	ssyncadd.s32 $0xFFFFE000  }
0x33: {  	_ =	swait.ge [sflag:s19], $0x2000  }
0x34: {  	[sflag:s19] =	ssyncset.done $0x0  }
0x35: {  	[sflag:s19] =	ssyncadd.s32 $0xFFFFE000  }
0x36: {  	_ =	swait.ge [sflag:s20], $0x2000  }
0x37: {  	s0 =	rddreg [dreg:$0x10]  }
0x38: {  	s22 =	rddreg [dreg:$0x5];
	s0 =	sadd.s32 $0x1, s0  }
0x39: {  	p0 =	sne.s32 s0, s22  }
.Ltmp1:
0x3a: {  	_ = 	snop;
	(pc) =	sbr.rel @!p0 .LBB2_5-.Ltmp1, $4  }
0x3b: {  	s23 =	simm.s32 $0xC400  }
0x3c: {  	s24 =	simm.s32 $0xE400;
	s26 =	simm.s32 $0x10400;
	s28 =	simm.s32 $0x12400  }
0x3d: {  	s1 =	simm.s32 $0x14400;
	s30 =	simm.s32 $0x16400;
	[sflag:s20] =	ssyncset.done $0x0  }
0x3e: {  	[sflag:s20] =	ssyncadd.s32 $0xFFFFE000;
	[dreg:$0x10] =	wrdreg s0;
	s0 =	simm.s32 $0xA400  }
.LBB2_1:
0x3f: {  	s22 =	rddreg [dreg:$0x4]  }
0x40: {  	[tilespmem:s2], [sflag:$0x15] =	stream.linear.gather [hbm4b:s22+s2], $0x6400, $0x38;
	[tilespmem:$0x1A400] =	vst v63  }
0x41: {  	s22 =	simm.s32 $0x15  }
0x42: {  	_ =	swait.ge [sflag:s22], $0x6400  }
0x43: {  	[sflag:s22] =	ssyncset.done $0x0  }
0x44: {  	[sflag:s22] =	ssyncadd.s32 $0xFFFF9C00  }
0x45: {  	[tilespmem:s29], [sflag:$0x1] =	stream.indirect.gather [hbm4b:s3+s18], $0x40, s2, s18, $0xb8;
	[tilespmem:$0x1A400] =	vst v63  }
0x46: {  	_ = 	snop  }
0x47: {  	[tilespmem:s31], [sflag:$0x2] =	stream.indirect.gather [hbm4b:s3+s18], $0x40, s18, s18, $0xb8;
	[tilespmem:$0x1A400] =	vst v63  }
0x48: {  	s22 =	simm.s32 $0x100  }
0x49: {  	[tilespmem:s0], [sflag:$0x3] =	stream.indirect.gather [hbm4b:s3+s18], $0x40, s22, s18, $0xb8;
	[tilespmem:$0x1A400] =	vst v63  }
0x4a: {  	s22 =	simm.s32 $0x180  }
0x4b: {  	[tilespmem:s23], [sflag:$0x4] =	stream.indirect.gather [hbm4b:s3+s18], $0x40, s22, s18, $0xb8;
	[tilespmem:$0x1A400] =	vst v63  }
0x4c: {  	s23 =	simm.s32 $0x200  }
0x4d: {  	[tilespmem:s24], [sflag:$0x5] =	stream.indirect.gather [hbm4b:s3+s18], $0x40, s23, s18, $0xb8;
	[tilespmem:$0x1A400] =	vst v63  }
0x4e: {  	s24 =	simm.s32 $0x280  }
0x4f: {  	[tilespmem:s26], [sflag:$0x6] =	stream.indirect.gather [hbm4b:s3+s18], $0x40, s24, s18, $0xb8;
	[tilespmem:$0x1A400] =	vst v63  }
0x50: {  	s26 =	simm.s32 $0x300  }
0x51: {  	[tilespmem:s28], [sflag:$0x7] =	stream.indirect.gather [hbm4b:s3+s18], $0x40, s26, s18, $0xb8;
	[tilespmem:$0x1A400] =	vst v63  }
0x52: {  	s22 =	simm.s32 $0x380  }
0x53: {  	[tilespmem:s1], [sflag:$0x8] =	stream.indirect.gather [hbm4b:s3+s18], $0x40, s22, s18, $0xb8;
	[tilespmem:$0x1A400] =	vst v63  }
0x54: {  	s23 =	simm.s32 $0x400;
	s24 =	simm.s32 $0x480;
	s26 =	simm.s32 $0x18400  }
0x55: {  	[tilespmem:s30], [sflag:$0x9] =	stream.indirect.gather [hbm4b:s3+s18], $0x40, s23, s18, $0xb8;
	[tilespmem:$0x1A400] =	vst v63  }
0x56: {  	s28 =	simm.s32 $0xE400;
	s22 =	rddreg [dreg:$0x3];
	s1 =	simm.s32 $0x14400  }
0x57: {  	[tilespmem:s26], [sflag:$0xA] =	stream.indirect.gather [hbm4b:s3+s18], $0x40, s24, s18, $0xb8;
	[tilespmem:$0x1A400] =	vst v63  }
0x58: {  	s23 =	simm.s32 $0x16400;
	s30 =	simm.s32 $0x10400;
	s24 =	simm.s32 $0x0  }
.LBB2_2:
0x59: {  	s26 =	simm.s32 $0x1  }
0x5a: {  	_ =	swait.ge [sflag:s26], $0x2000  }
0x5b: {  	[sflag:s26] =	ssyncset.done $0x0;
	s0 =	rddreg [dreg:$0xf]  }
0x5c: {  	[sflag:s26] =	ssyncadd.s32 $0xFFFFE000;
	s26 =	sadd.s32 s22, s0;
	s0 =	simm.s32 $0x2  }
0x5d: {  	[hbm4b:s26+s2] =	stream.linear.scatter [tilespmem:s29], [sflag:$0xB], $0x2000, $0x38;
	[tilespmem:$0x1A400] =	vst v63  }
0x5e: {  	_ =	swait.ge [sflag:s0], $0x2000  }
0x5f: {  	[sflag:s0] =	ssyncset.done $0x0  }
0x60: {  	[sflag:s0] =	ssyncadd.s32 $0xFFFFE000;
	s0 =	rddreg [dreg:$0xe]  }
0x61: {  	s26 =	sadd.s32 s22, s0  }
0x62: {  	[hbm4b:s26+s2] =	stream.linear.scatter [tilespmem:s31], [sflag:$0xC], $0x2000, $0x38;
	[tilespmem:$0x1A400] =	vst v63  }
0x63: {  	_ =	swait.ge [sflag:s21], $0x2000  }
0x64: {  	[sflag:s21] =	ssyncset.done $0x0;
	s0 =	rddreg [dreg:$0xd]  }
0x65: {  	[sflag:s21] =	ssyncadd.s32 $0xFFFFE000;
	s26 =	sadd.s32 s22, s0;
	s0 =	simm.s32 $0xA400  }
0x66: {  	[hbm4b:s26+s2] =	stream.linear.scatter [tilespmem:s0], [sflag:$0xD], $0x2000, $0x38;
	[tilespmem:$0x1A400] =	vst v63  }
0x67: {  	_ =	swait.ge [sflag:s25], $0x2000  }
0x68: {  	[sflag:s25] =	ssyncset.done $0x0;
	s0 =	rddreg [dreg:$0xc]  }
0x69: {  	[sflag:s25] =	ssyncadd.s32 $0xFFFFE000;
	s26 =	sadd.s32 s22, s0;
	s0 =	simm.s32 $0xC400  }
0x6a: {  	[hbm4b:s26+s2] =	stream.linear.scatter [tilespmem:s0], [sflag:$0xE], $0x2000, $0x38;
	[tilespmem:$0x1A400] =	vst v63  }
0x6b: {  	_ =	swait.ge [sflag:s5], $0x2000  }
0x6c: {  	[sflag:s5] =	ssyncset.done $0x0;
	s0 =	rddreg [dreg:$0xb]  }
0x6d: {  	[sflag:s5] =	ssyncadd.s32 $0xFFFFE000;
	s26 =	sadd.s32 s22, s0  }
0x6e: {  	[hbm4b:s26+s2] =	stream.linear.scatter [tilespmem:s28], [sflag:$0xF], $0x2000, $0x38;
	[tilespmem:$0x1A400] =	vst v63  }
0x6f: {  	_ =	swait.ge [sflag:s4], $0x2000  }
0x70: {  	[sflag:s4] =	ssyncset.done $0x0;
	s0 =	rddreg [dreg:$0xa]  }
0x71: {  	[sflag:s4] =	ssyncadd.s32 $0xFFFFE000;
	s26 =	sadd.s32 s22, s0  }
0x72: {  	[hbm4b:s26+s2] =	stream.linear.scatter [tilespmem:s30], [sflag:$0x10], $0x2000, $0x38;
	[tilespmem:$0x1A400] =	vst v63  }
0x73: {  	_ =	swait.ge [sflag:s6], $0x2000  }
0x74: {  	[sflag:s6] =	ssyncset.done $0x0;
	s0 =	rddreg [dreg:$0x9]  }
0x75: {  	[sflag:s6] =	ssyncadd.s32 $0xFFFFE000;
	s26 =	sadd.s32 s22, s0;
	s0 =	simm.s32 $0x12400  }
0x76: {  	[hbm4b:s26+s2] =	stream.linear.scatter [tilespmem:s0], [sflag:$0x11], $0x2000, $0x38;
	[tilespmem:$0x1A400] =	vst v63  }
0x77: {  	_ =	swait.ge [sflag:s17], $0x2000  }
0x78: {  	[sflag:s17] =	ssyncset.done $0x0;
	s0 =	rddreg [dreg:$0x8]  }
0x79: {  	[sflag:s17] =	ssyncadd.s32 $0xFFFFE000;
	s26 =	sadd.s32 s22, s0  }
0x7a: {  	[hbm4b:s26+s2] =	stream.linear.scatter [tilespmem:s1], [sflag:$0x12], $0x2000, $0x38;
	[tilespmem:$0x1A400] =	vst v63  }
0x7b: {  	_ =	swait.ge [sflag:s7], $0x2000  }
0x7c: {  	[sflag:s7] =	ssyncset.done $0x0;
	s0 =	rddreg [dreg:$0x7]  }
0x7d: {  	[sflag:s7] =	ssyncadd.s32 $0xFFFFE000;
	s26 =	sadd.s32 s22, s0  }
0x7e: {  	[hbm4b:s26+s2] =	stream.linear.scatter [tilespmem:s23], [sflag:$0x13], $0x2000, $0x38;
	[tilespmem:$0x1A400] =	vst v63  }
0x7f: {  	_ =	swait.ge [sflag:s8], $0x2000  }
0x80: {  	[sflag:s8] =	ssyncset.done $0x0  }
0x81: {  	p0 =	seq.s32 s24, $0x17C00;
	s0 =	rddreg [dreg:$0x6];
	[sflag:s8] =	ssyncadd.s32 $0xFFFFE000  }
.Ltmp2:
0x82: {  	s26 =	sadd.s32 s22, s0;
	s0 =	simm.s32 $0x18400;
	(pc) =	sbr.rel @p0 .LBB2_4-.Ltmp2, $4  }
0x83: {  	[hbm4b:s26+s2] =	stream.linear.scatter [tilespmem:s0], [sflag:$0x14], $0x2000, $0x38;
	[tilespmem:$0x1A400] =	vst v63  }
0x84: {  	_ =	swait.ge [sflag:s9], $0x2000  }
0x85: {  	[sflag:s9] =	ssyncset.done $0x0  }
0x86: {  	[sflag:s9] =	ssyncadd.s32 $0xFFFFE000  }
0x87: {  	s26 =	sshra.s32 s24, $0x2  }
0x88: {  	s31 =	simm.s32 $0x6400;
	s29 =	sadd.s32 $0x500, s26  }
0x89: {  	[tilespmem:s31], [sflag:$0x1] =	stream.indirect.gather [hbm4b:s3+s18], $0x40, s29, s18, $0xb8;
	[tilespmem:$0x1A400] =	vst v63  }
0x8a: {  	_ =	swait.ge [sflag:s10], $0x2000  }
0x8b: {  	[sflag:s10] =	ssyncset.done $0x0  }
0x8c: {  	s31 =	simm.s32 $0x8400;
	s29 =	sadd.s32 $0x580, s26;
	[sflag:s10] =	ssyncadd.s32 $0xFFFFE000  }
0x8d: {  	[tilespmem:s31], [sflag:$0x2] =	stream.indirect.gather [hbm4b:s3+s18], $0x40, s29, s18, $0xb8;
	[tilespmem:$0x1A400] =	vst v63  }
0x8e: {  	_ =	swait.ge [sflag:s11], $0x2000  }
0x8f: {  	[sflag:s11] =	ssyncset.done $0x0  }
0x90: {  	s0 =	simm.s32 $0xA400;
	s29 =	sadd.s32 $0x600, s26;
	[sflag:s11] =	ssyncadd.s32 $0xFFFFE000  }
0x91: {  	[tilespmem:s0], [sflag:$0x3] =	stream.indirect.gather [hbm4b:s3+s18], $0x40, s29, s18, $0xb8;
	[tilespmem:$0x1A400] =	vst v63  }
0x92: {  	_ =	swait.ge [sflag:s12], $0x2000  }
0x93: {  	[sflag:s12] =	ssyncset.done $0x0  }
0x94: {  	s29 =	sadd.s32 $0x680, s26;
	s0 =	simm.s32 $0xC400;
	[sflag:s12] =	ssyncadd.s32 $0xFFFFE000  }
0x95: {  	[tilespmem:s0], [sflag:$0x4] =	stream.indirect.gather [hbm4b:s3+s18], $0x40, s29, s18, $0xb8;
	[tilespmem:$0x1A400] =	vst v63  }
0x96: {  	_ =	swait.ge [sflag:s13], $0x2000  }
0x97: {  	[sflag:s13] =	ssyncset.done $0x0  }
0x98: {  	s29 =	sadd.s32 $0x700, s26;
	[sflag:s13] =	ssyncadd.s32 $0xFFFFE000  }
0x99: {  	[tilespmem:s28], [sflag:$0x5] =	stream.indirect.gather [hbm4b:s3+s18], $0x40, s29, s18, $0xb8;
	[tilespmem:$0x1A400] =	vst v63  }
0x9a: {  	_ =	swait.ge [sflag:s14], $0x2000  }
0x9b: {  	[sflag:s14] =	ssyncset.done $0x0  }
0x9c: {  	s29 =	sadd.s32 $0x780, s26;
	[sflag:s14] =	ssyncadd.s32 $0xFFFFE000  }
0x9d: {  	[tilespmem:s30], [sflag:$0x6] =	stream.indirect.gather [hbm4b:s3+s18], $0x40, s29, s18, $0xb8;
	[tilespmem:$0x1A400] =	vst v63  }
0x9e: {  	_ =	swait.ge [sflag:s15], $0x2000  }
0x9f: {  	[sflag:s15] =	ssyncset.done $0x0  }
0xa0: {  	s0 =	simm.s32 $0x12400;
	s29 =	sadd.s32 $0x800, s26;
	[sflag:s15] =	ssyncadd.s32 $0xFFFFE000  }
0xa1: {  	[tilespmem:s0], [sflag:$0x7] =	stream.indirect.gather [hbm4b:s3+s18], $0x40, s29, s18, $0xb8;
	[tilespmem:$0x1A400] =	vst v63  }
0xa2: {  	_ =	swait.ge [sflag:s16], $0x2000  }
0xa3: {  	[sflag:s16] =	ssyncset.done $0x0  }
0xa4: {  	s29 =	sadd.s32 $0x880, s26;
	[sflag:s16] =	ssyncadd.s32 $0xFFFFE000  }
0xa5: {  	[tilespmem:s1], [sflag:$0x8] =	stream.indirect.gather [hbm4b:s3+s18], $0x40, s29, s18, $0xb8;
	[tilespmem:$0x1A400] =	vst v63  }
0xa6: {  	_ =	swait.ge [sflag:s19], $0x2000  }
0xa7: {  	[sflag:s19] =	ssyncset.done $0x0  }
0xa8: {  	s29 =	sadd.s32 $0x900, s26;
	[sflag:s19] =	ssyncadd.s32 $0xFFFFE000  }
0xa9: {  	[tilespmem:s23], [sflag:$0x9] =	stream.indirect.gather [hbm4b:s3+s18], $0x40, s29, s18, $0xb8;
	[tilespmem:$0x1A400] =	vst v63  }
.Ltmp3:
0xaa: {  	_ = 	snop;
	(pc) =	sbr.rel .LBB2_2-.Ltmp3, $4  }
0xab: {  	s24 =	sadd.s32 $0x1400, s24;
	_ =	swait.ge [sflag:s20], $0x2000  }
0xac: {  	s22 =	sadd.s32 $0x2800, s22;
	s0 =	simm.s32 $0x18400;
	[sflag:s20] =	ssyncset.done $0x0  }
0xad: {  	s26 =	sadd.s32 $0x980, s26;
	s29 =	simm.s32 $0x6400;
	[sflag:s20] =	ssyncadd.s32 $0xFFFFE000  }
0xae: {  	[tilespmem:s0], [sflag:$0xA] =	stream.indirect.gather [hbm4b:s3+s18], $0x40, s26, s18, $0xb8;
	[tilespmem:$0x1A400] =	vst v63  }
.LBB2_5:
0xaf: {  	_ =	sfence.sel $0x180000  }
0xb0: {  	[bflag:$0x0] =	sbarrier.arrive $0xFFFF  }
0xb1: {  	_ =	strace $0x90000047  }
0xb2: {  	s0 =	stileid.u32;
	[bflag:$0x2] =	sbarrier.arrive $0xFFFF  }
0xb3: {  	p0 =	sne.s32 s0, $0x0;
	s0 =	rddreg [dreg:$0x2]  }
0xb4: {  	s0 =	sadd.s32 @!p0 $0x100000, s0  }
0xb5: {  	[sflag:s0] =	ssyncadd.tile.s32 @!p0 $0x1;
	_ =	shalt  }
.Lfunc_end2:
_tile_overlayer_lowered:
.L_overlay_start_2:
0xb6: {  	(tag) =	ssettag $0x2  }
0xb7: {  	s0 =	rddreg [dreg:$0x0];
	s2 =	stileid.u32  }
0xb8: {  	s1 =	rddreg [dreg:$0x1];
	p0 =	sne.s32 s2, $0x0  }
0xb9: {  	s3 =	rddreg [dreg:$0x2];
	[bflag:$0x3] =	sbarrier.arrive $0xFFFF;
	s2 =	simm.s32 @!p0 $0x1C15  }
0xba: {  	[timem:s3], [sflag:s2] =	dma.local @!p0 [hbm:s0], s1  }
0xbb: {  	s0 =	simm.s32 @!p0 $0x15  }
0xbc: {  	_ =	swait.ge @!p0 [sflag:s0], s1  }
0xbd: {  	s1 =	ssub.s32 @!p0 $0x0, s1;
	[sflag:s0] =	ssyncset.done @!p0 $0x0  }
0xbe: {  	[sflag:s0] =	ssyncadd.s32 @!p0 s1  }
0xbf: {  	[bflag:$0x3] =	sbarrier.arrive $0xFFFF  }
0xc0: {  	_ =	shalt  }

</sc_bundles>
